<compile_context>
chip_gen: v7x
topology: tpu7x:2x2x1
jax: 0.10.2.dev20260603
libtpu: 0.0.44.dev20260713+nightly
codegen_flags: <defaults>
</compile_context>

<pallas_src>
import functools

import jax
import jax.numpy as jnp
from jax import lax
from jax.experimental import pallas as pl
from jax.experimental.pallas import tpu as pltpu
from jax.experimental.pallas import tpu_sc as plsc

NUM_OPS = 100000
EMBED_DIM = 64
HIDDEN = 128
B = 4096
T = 50

_NC = 2
_NS = 16
_NW = _NC * _NS
_BT = B * T
_CHUNK = 128
_E2 = 2 * EMBED_DIM


def _sc_gather(idx2, table, nrows):
    mesh = plsc.VectorSubcoreMesh(core_axis_name="c", subcore_axis_name="s")
    per_w = nrows // _NW
    nchunk = per_w // _CHUNK

    @functools.partial(
        pl.kernel,
        mesh=mesh,
        compiler_params=pltpu.CompilerParams(use_tc_tiling_on_sc=False),
        out_type=jax.ShapeDtypeStruct((nrows // 2, _E2), jnp.float32),
        scratch_types=[
            pltpu.VMEM((_CHUNK,), jnp.int32),
            pltpu.VMEM((_CHUNK,), jnp.int32),
            pltpu.VMEM((_CHUNK, _E2), jnp.float32),
            pltpu.VMEM((_CHUNK, _E2), jnp.float32),
            pltpu.SemaphoreType.DMA,
            pltpu.SemaphoreType.DMA,
        ],
    )
    def k(idx_hbm, table_hbm, out_hbm, idx0, idx1, buf0, buf1, sem0, sem1):
        wid = lax.axis_index("s") * _NC + lax.axis_index("c")
        base = wid * (per_w // 2)

        idxs = (idx0, idx1)
        bufs = (buf0, buf1)
        sems = (sem0, sem1)

        def start(j, slot):
            pltpu.sync_copy(idx_hbm.at[wid * nchunk + j], idxs[slot])
            pltpu.async_copy(table_hbm.at[idxs[slot]], bufs[slot], sems[slot])

        def drain(j, slot):
            pltpu.make_async_copy(table_hbm.at[idxs[slot]], bufs[slot],
                                  sems[slot]).wait()
            r0 = base + j * (_CHUNK // 2)
            pltpu.sync_copy(
                bufs[slot].at[pl.ds(0, _CHUNK // 2), pl.ds(0, EMBED_DIM)],
                out_hbm.at[pl.ds(r0, _CHUNK // 2), pl.ds(0, EMBED_DIM)],
            )
            pltpu.sync_copy(
                bufs[slot].at[pl.ds(_CHUNK // 2, _CHUNK // 2),
                              pl.ds(0, EMBED_DIM)],
                out_hbm.at[pl.ds(r0, _CHUNK // 2), pl.ds(EMBED_DIM, EMBED_DIM)],
            )

        start(0, 0)

        def body(i, _):
            @pl.when(i % 2 == 0)
            def _():
                @pl.when(i + 1 < nchunk)
                def _():
                    start(i + 1, 1)
                drain(i, 0)

            @pl.when(i % 2 == 1)
            def _():
                @pl.when(i + 1 < nchunk)
                def _():
                    start(i + 1, 0)
                drain(i, 1)

            return 0

        lax.fori_loop(0, nchunk, body, 0)

    return k(idx2, table)


_KP = 256


def _lstm_body(x_ref, w_ref, out_ref, cate_ref, cato_ref):
    half = x_ref.shape[1]
    H = HIDDEN

    def sig(v):
        return 0.5 * jnp.tanh(v) + 0.5

    ones = jnp.ones((half, _KP - EMBED_DIM - H), jnp.bfloat16)
    cate_ref[:, EMBED_DIM + H:] = ones
    cato_ref[:, EMBED_DIM + H:] = ones

    def gates(g, c):
        i = sig(g[:, :H])
        f = sig(g[:, H:2 * H])
        gg = jnp.tanh(g[:, 2 * H:3 * H])
        o = sig(g[:, 3 * H:])
        c2 = f * c + i * gg
        h2 = o * jnp.tanh(c2)
        return h2, c2

    def step(t, carry):
        he, ho, ce, co = carry
        xt = x_ref[t].astype(jnp.bfloat16)
        cate_ref[:, :EMBED_DIM] = xt[:, :EMBED_DIM]
        cate_ref[:, EMBED_DIM:EMBED_DIM + H] = he.astype(jnp.bfloat16)
        cato_ref[:, :EMBED_DIM] = xt[:, EMBED_DIM:]
        cato_ref[:, EMBED_DIM:EMBED_DIM + H] = ho.astype(jnp.bfloat16)
        ge = jnp.dot(cate_ref[:], w_ref[:],
                     preferred_element_type=jnp.float32)
        go = jnp.dot(cato_ref[:], w_ref[:],
                     preferred_element_type=jnp.float32)
        he2, ce2 = gates(ge, ce)
        ho2, co2 = gates(go, co)
        return (he2, ho2, ce2, co2)

    z = jnp.zeros((half, H), jnp.float32)
    he, ho, _, _ = lax.fori_loop(0, T, step, (z, z, z, z))
    out_ref[:, :H] = he
    out_ref[:, H:] = ho


def _lstm(x2, w_aug, nb=B, bblk=1024, interpret=False):
    half = bblk // 2
    grid = (nb // bblk,)
    x3 = x2.reshape(T, nb // 2, _E2)
    out = pl.pallas_call(
        _lstm_body,
        grid=grid,
        in_specs=[
            pl.BlockSpec((T, half, _E2), lambda i: (0, i, 0)),
            pl.BlockSpec((_KP, 4 * HIDDEN), lambda i: (0, 0)),
        ],
        out_specs=pl.BlockSpec((half, 2 * HIDDEN), lambda i: (i, 0)),
        out_shape=jax.ShapeDtypeStruct((nb // 2, 2 * HIDDEN), jnp.float32),
        scratch_shapes=[
            pltpu.VMEM((half, _KP), jnp.bfloat16),
            pltpu.VMEM((half, _KP), jnp.bfloat16),
        ],
        interpret=interpret,
    )(x3, w_aug)
    return out.reshape(nb, HIDDEN)


def _make_w_aug(W_ih, W_hh, b_ih, b_hh):
    H = HIDDEN
    bias = (b_ih + b_hh).reshape(1, 4 * H)
    w = jnp.concatenate([
        W_ih.T, W_hh.T, bias,
        jnp.zeros((_KP - EMBED_DIM - H - 1, 4 * H), jnp.float32),
    ], axis=0)
    scale = jnp.concatenate([
        jnp.full((2 * H,), 0.5, jnp.float32),
        jnp.ones((H,), jnp.float32),
        jnp.full((H,), 0.5, jnp.float32),
    ]).reshape(1, 4 * H)
    return (w * scale).astype(jnp.bfloat16)


def _mk_idx(po):
    n = po.shape[0] * po.shape[1]
    return (
        po.T.reshape(n // _CHUNK, _CHUNK // 2, 2)
        .transpose(0, 2, 1)
        .reshape(n // _CHUNK, _CHUNK)
    )


def kernel(program_ops, emb_table, W_ih, W_hh, b_ih, b_hh):
    po = jnp.asarray(program_ops, jnp.int32)
    w_aug = _make_w_aug(W_ih, W_hh, b_ih, b_hh)
    tab = jnp.concatenate(
        [emb_table, jnp.zeros((NUM_OPS, EMBED_DIM), jnp.float32)], axis=1)
    hb2 = B // 2
    nr = hb2 * T
    xa = _sc_gather(_mk_idx(po[:hb2]), tab, nr)
    xb = _sc_gather(_mk_idx(po[hb2:]), tab, nr)
    ha = _lstm(xa, w_aug, nb=hb2)
    hb = _lstm(xb, w_aug, nb=hb2)
    return jnp.concatenate([ha, hb], axis=0)

# --- scband reference (transcript-rebuilt; emitter-appended) ---
"""Pipeline reference for scband-neural-program-encoder-31516470018195 (READ-ONLY COPY).

The authoritative reference and input builder live on the scoring server;
editing this copy changes nothing except your own understanding.
"""

import jax, jax.numpy as jnp
import numpy as np

NUM_OPS = 100000
EMBED_DIM = 64
HIDDEN = 128
B = 4096
T = 50

def setup_inputs(seed: int = 0) -> dict:
    key = jax.random.key(seed)
    k0, k1, k2, k3, k4, k5 = jax.random.split(key, 6)
    program_ops = jax.random.randint(k0, (B, T), 0, NUM_OPS, dtype=jnp.int64) if jax.config.jax_enable_x64 else jax.random.randint(k0, (B, T), 0, NUM_OPS, dtype=jnp.int32)
    emb_table = jax.random.normal(k1, (NUM_OPS, EMBED_DIM), dtype=jnp.float32) * 0.02
    s = 1.0 / np.sqrt(HIDDEN)
    W_ih = jax.random.uniform(k2, (4 * HIDDEN, EMBED_DIM), dtype=jnp.float32, minval=-s, maxval=s)
    W_hh = jax.random.uniform(k3, (4 * HIDDEN, HIDDEN), dtype=jnp.float32, minval=-s, maxval=s)
    b_ih = jax.random.uniform(k4, (4 * HIDDEN,), dtype=jnp.float32, minval=-s, maxval=s)
    b_hh = jax.random.uniform(k5, (4 * HIDDEN,), dtype=jnp.float32, minval=-s, maxval=s)
    return {"program_ops": program_ops, "emb_table": emb_table, "W_ih": W_ih, "W_hh": W_hh, "b_ih": b_ih, "b_hh": b_hh}

def _lstm_last_h(x, W_ih, W_hh, b_ih, b_hh):
    # x: [B, T, E]; single-layer LSTM, PyTorch gate order (i, f, g, o)
    Bsz = x.shape[0]
    H = W_hh.shape[1]
    x_t = jnp.swapaxes(x, 0, 1)  # [T, B, E]

    def step(carry, xt):
        h, c = carry
        gates = xt @ W_ih.T + h @ W_hh.T + b_ih + b_hh
        i, f, g, o = jnp.split(gates, 4, axis=-1)
        i = jax.nn.sigmoid(i)
        f = jax.nn.sigmoid(f)
        g = jnp.tanh(g)
        o = jax.nn.sigmoid(o)
        c_new = f * c + i * g
        h_new = o * jnp.tanh(c_new)
        return (h_new, c_new), None

    h0 = jnp.zeros((Bsz, H), dtype=x.dtype)
    c0 = jnp.zeros((Bsz, H), dtype=x.dtype)
    (h_n, _), _ = jax.lax.scan(step, (h0, c0), x_t)
    return h_n

def reference(program_ops, emb_table, W_ih, W_hh, b_ih, b_hh):
    # embedding lookup: [B, T] -> [B, T, E]
    op_embeddings = jnp.take(emb_table, program_ops, axis=0)
    # LSTM, return final hidden state h_n squeezed: [B, H]
    h_n = _lstm_last_h(op_embeddings, W_ih, W_hh, b_ih, b_hh)
    return h_n

if __name__ == "__main__":
    import jax
    _d = setup_inputs()
    print(jax.jit(kernel)(*tuple(_d.values())))

</pallas_src>

<mosaic_0001>
#map = affine_map<(d0, d1) -> (0, 0)>
module attributes {stable_mosaic.version = 14 : i64} {
  func.func @k(%arg0: i32, %arg1: i32, %arg2: memref<800x128xi32, #tpu.memory_space<hbm>>, %arg3: memref<100000x128xf32, #tpu.memory_space<hbm>>, %arg4: memref<51200x128xf32, #tpu.memory_space<hbm>>, %arg5: memref<128xi32, #tpu.memory_space<vmem>>, %arg6: memref<128xi32, #tpu.memory_space<vmem>>, %arg7: memref<128x128xf32, #tpu.memory_space<vmem>>, %arg8: memref<128x128xf32, #tpu.memory_space<vmem>>, %arg9: memref<!tpu.dma_semaphore, #tpu.memory_space<semaphore_mem>>, %arg10: memref<!tpu.dma_semaphore, #tpu.memory_space<semaphore_mem>>) attributes {dimension_semantics = [#tpu.dimension_semantics<core_parallel>, #tpu.dimension_semantics<subcore_parallel>], iteration_bounds = array<i64: 2, 16>, scalar_prefetch = 0 : i64, scratch_operands = 6 : i64, tpu.core_type = #tpu.core_type<sc_vector_subcore>, window_params = [{transform_indices = #map}, {transform_indices = #map}, {transform_indices = #map}]} {
    %mul3A = arith.constant 2 : i32
    %mul3A_0 = arith.muli %arg1, %mul3A : i32
    %add3A = arith.addi %mul3A_0, %arg0 : i32
    %mul3A_1 = arith.constant 1600 : i32
    %mul3A_2 = arith.muli %add3A, %mul3A_1 : i32
    %mul3A_3 = arith.constant 25 : i32
    %mul3A_4 = arith.muli %add3A, %mul3A_3 : i32
    %add3A_5 = arith.constant 0 : i32
    %add3A_6 = arith.addi %mul3A_4, %add3A_5 : i32
    "tpu.region"() ({
      %run_scoped3A = tpu.sem_alloc : memref<!tpu.dma_semaphore, #tpu.memory_space<semaphore_mem>>
      %dma_start3A_15 = arith.constant 0 : i32
      %dma_start3A_16 = tpu.memref_slice %arg2[%add3A_6, %dma_start3A_15] : memref<800x128xi32, #tpu.memory_space<hbm>> -> memref<1x128xi32, #tpu.memory_space<hbm>>
      %dma_start3A_17 = tpu.memref_squeeze %dma_start3A_16 : memref<1x128xi32, #tpu.memory_space<hbm>> -> memref<128xi32, #tpu.memory_space<hbm>>
      %dma_start3A_18 = arith.constant 0 : i32
      %dma_start3A_19 = tpu.memref_slice %arg2[%add3A_6, %dma_start3A_18] : memref<800x128xi32, #tpu.memory_space<hbm>> -> memref<1x128xi32, #tpu.memory_space<hbm>>
      %dma_start3A_20 = tpu.memref_squeeze %dma_start3A_19 : memref<1x128xi32, #tpu.memory_space<hbm>> -> memref<128xi32, #tpu.memory_space<hbm>>
      tpu.enqueue_dma source(%dma_start3A_20 : memref<128xi32, #tpu.memory_space<hbm>>) target(%arg5 : memref<128xi32, #tpu.memory_space<vmem>>) target_semaphore(%run_scoped3A : memref<!tpu.dma_semaphore, #tpu.memory_space<semaphore_mem>>)
      %dma_wait3A = arith.constant 0 : i32
      %dma_wait3A_21 = tpu.memref_slice %arg2[%add3A_6, %dma_wait3A] : memref<800x128xi32, #tpu.memory_space<hbm>> -> memref<1x128xi32, #tpu.memory_space<hbm>>
      %dma_wait3A_22 = tpu.memref_squeeze %dma_wait3A_21 : memref<1x128xi32, #tpu.memory_space<hbm>> -> memref<128xi32, #tpu.memory_space<hbm>>
      %dma_wait3A_23 = arith.constant 0 : i32
      %dma_wait3A_24 = tpu.memref_slice %arg2[%add3A_6, %dma_wait3A_23] : memref<800x128xi32, #tpu.memory_space<hbm>> -> memref<1x128xi32, #tpu.memory_space<hbm>>
      %dma_wait3A_25 = tpu.memref_squeeze %dma_wait3A_24 : memref<1x128xi32, #tpu.memory_space<hbm>> -> memref<128xi32, #tpu.memory_space<hbm>>
      tpu.wait_dma2 semaphore(%run_scoped3A : memref<!tpu.dma_semaphore, #tpu.memory_space<semaphore_mem>>) src(%dma_wait3A_25 : memref<128xi32, #tpu.memory_space<hbm>>) dst(%arg5 : memref<128xi32, #tpu.memory_space<vmem>>)
      tpu.yield
    }) : () -> ()
    %dma_start3A = arith.constant 0 : i32
    %dma_start3A_7 = arith.constant 0 : i32
    %dma_start3A_8 = tpu.memref_slice %arg3[%dma_start3A, %dma_start3A_7] : memref<100000x128xf32, #tpu.memory_space<hbm>> -> memref<100000x128xf32, #tpu.memory_space<hbm>>
    tpu.enqueue_indirect_dma source(%dma_start3A_8 : memref<100000x128xf32, #tpu.memory_space<hbm>>) target(%arg7 : memref<128x128xf32, #tpu.memory_space<vmem>>) offsets(%arg5 : memref<128xi32, #tpu.memory_space<vmem>>) semaphore(%arg9 : memref<!tpu.dma_semaphore, #tpu.memory_space<semaphore_mem>>)
    %scan3A = arith.constant 0 : i32
    %scan3A_9 = arith.constant 0 : i32
    %scan3A_10 = arith.constant 25 : i32
    %scan3A_11 = arith.addi %scan3A_9, %scan3A_10 : i32
    %scan3A_12 = arith.constant 1 : i32
    %scan3A_13 = scf.for %scan3A_15 = %scan3A_9 to %scan3A_11 step %scan3A_12 iter_args(%scan3A_16 = %scan3A) -> (i32)  : i32 {
      %jit3A = arith.constant 2 : i32
      %eq3A = arith.constant 0 : i32
      %eq3A_17 = arith.cmpi eq, %jit3A, %eq3A : i32
      %jit3A_18 = arith.constant 1 : i32
      %select_n3A = arith.select %eq3A_17, %jit3A_18, %jit3A : i32
      %rem3A = arith.remsi %scan3A_15, %select_n3A : i32
      %ne3A = arith.constant 0 : i32
      %ne3A_19 = arith.cmpi ne, %rem3A, %ne3A : i32
      %lt3A = arith.constant 0 : i32
      %lt3A_20 = arith.cmpi slt, %rem3A, %lt3A : i32
      %lt3A_21 = arith.constant 0 : i32
      %lt3A_22 = arith.cmpi slt, %select_n3A, %lt3A_21 : i32
      %ne3A_23 = arith.xori %lt3A_20, %lt3A_22 : i1
      %and3A = arith.andi %ne3A_23, %ne3A_19 : i1
      %add3A_24 = arith.addi %rem3A, %select_n3A : i32
      %select_n3A_25 = arith.select %and3A, %add3A_24, %rem3A : i32
      %eq3A_26 = arith.constant 0 : i32
      %eq3A_27 = arith.cmpi eq, %select_n3A_25, %eq3A_26 : i32
      %convert_element_type3A = arith.extui %eq3A_27 : i1 to i32
      %cond3A = arith.constant 0 : i32
      %cond3A_28 = arith.cmpi ne, %convert_element_type3A, %cond3A : i32
      scf.if %cond3A_28 {
        %add3A_51 = arith.constant 1 : i32
        %add3A_52 = arith.addi %scan3A_15, %add3A_51 : i32
        %lt3A_53 = arith.constant 25 : i32
        %lt3A_54 = arith.cmpi slt, %add3A_52, %lt3A_53 : i32
        %convert_element_type3A_55 = arith.extui %lt3A_54 : i1 to i32
        %cond3A_56 = arith.constant 0 : i32
        %cond3A_57 = arith.cmpi ne, %convert_element_type3A_55, %cond3A_56 : i32
        scf.if %cond3A_57 {
          %add3A_63 = arith.constant 1 : i32
          %add3A_64 = arith.addi %scan3A_15, %add3A_63 : i32
          %mul3A_65 = arith.constant 25 : i32
          %mul3A_66 = arith.muli %add3A, %mul3A_65 : i32
          %add3A_67 = arith.addi %mul3A_66, %add3A_64 : i32
          "tpu.region"() ({
            %run_scoped3A = tpu.sem_alloc : memref<!tpu.dma_semaphore, #tpu.memory_space<semaphore_mem>>
            %dma_start3A_71 = arith.constant 0 : i32
            %dma_start3A_72 = tpu.memref_slice %arg2[%add3A_67, %dma_start3A_71] : memref<800x128xi32, #tpu.memory_space<hbm>> -> memref<1x128xi32, #tpu.memory_space<hbm>>
            %dma_start3A_73 = tpu.memref_squeeze %dma_start3A_72 : memref<1x128xi32, #tpu.memory_space<hbm>> -> memref<128xi32, #tpu.memory_space<hbm>>
            %dma_start3A_74 = arith.constant 0 : i32
            %dma_start3A_75 = tpu.memref_slice %arg2[%add3A_67, %dma_start3A_74] : memref<800x128xi32, #tpu.memory_space<hbm>> -> memref<1x128xi32, #tpu.memory_space<hbm>>
            %dma_start3A_76 = tpu.memref_squeeze %dma_start3A_75 : memref<1x128xi32, #tpu.memory_space<hbm>> -> memref<128xi32, #tpu.memory_space<hbm>>
            tpu.enqueue_dma source(%dma_start3A_76 : memref<128xi32, #tpu.memory_space<hbm>>) target(%arg6 : memref<128xi32, #tpu.memory_space<vmem>>) target_semaphore(%run_scoped3A : memref<!tpu.dma_semaphore, #tpu.memory_space<semaphore_mem>>)
            %dma_wait3A_77 = arith.constant 0 : i32
            %dma_wait3A_78 = tpu.memref_slice %arg2[%add3A_67, %dma_wait3A_77] : memref<800x128xi32, #tpu.memory_space<hbm>> -> memref<1x128xi32, #tpu.memory_space<hbm>>
            %dma_wait3A_79 = tpu.memref_squeeze %dma_wait3A_78 : memref<1x128xi32, #tpu.memory_space<hbm>> -> memref<128xi32, #tpu.memory_space<hbm>>
            %dma_wait3A_80 = arith.constant 0 : i32
            %dma_wait3A_81 = tpu.memref_slice %arg2[%add3A_67, %dma_wait3A_80] : memref<800x128xi32, #tpu.memory_space<hbm>> -> memref<1x128xi32, #tpu.memory_space<hbm>>
            %dma_wait3A_82 = tpu.memref_squeeze %dma_wait3A_81 : memref<1x128xi32, #tpu.memory_space<hbm>> -> memref<128xi32, #tpu.memory_space<hbm>>
            tpu.wait_dma2 semaphore(%run_scoped3A : memref<!tpu.dma_semaphore, #tpu.memory_space<semaphore_mem>>) src(%dma_wait3A_82 : memref<128xi32, #tpu.memory_space<hbm>>) dst(%arg6 : memref<128xi32, #tpu.memory_space<vmem>>)
            tpu.yield
          }) : () -> ()
          %dma_start3A_68 = arith.constant 0 : i32
          %dma_start3A_69 = arith.constant 0 : i32
          %dma_start3A_70 = tpu.memref_slice %arg3[%dma_start3A_68, %dma_start3A_69] : memref<100000x128xf32, #tpu.memory_space<hbm>> -> memref<100000x128xf32, #tpu.memory_space<hbm>>
          tpu.enqueue_indirect_dma source(%dma_start3A_70 : memref<100000x128xf32, #tpu.memory_space<hbm>>) target(%arg8 : memref<128x128xf32, #tpu.memory_space<vmem>>) offsets(%arg6 : memref<128xi32, #tpu.memory_space<vmem>>) semaphore(%arg10 : memref<!tpu.dma_semaphore, #tpu.memory_space<semaphore_mem>>)
        } else {
        }
        %dma_wait3A = arith.constant 0 : i32
        %dma_wait3A_58 = arith.constant 0 : i32
        %dma_wait3A_59 = tpu.memref_slice %arg3[%dma_wait3A, %dma_wait3A_58] : memref<100000x128xf32, #tpu.memory_space<hbm>> -> memref<100000x128xf32, #tpu.memory_space<hbm>>
        tpu.wait_indirect_dma semaphore(%arg9 : memref<!tpu.dma_semaphore, #tpu.memory_space<semaphore_mem>>) src(%dma_wait3A_59 : memref<100000x128xf32, #tpu.memory_space<hbm>>) dst(%arg7 : memref<128x128xf32, #tpu.memory_space<vmem>>)
        %mul3A_60 = arith.constant 64 : i32
        %mul3A_61 = arith.muli %scan3A_15, %mul3A_60 : i32
        %add3A_62 = arith.addi %mul3A_2, %mul3A_61 : i32
        "tpu.region"() ({
          %run_scoped3A = tpu.sem_alloc : memref<!tpu.dma_semaphore, #tpu.memory_space<semaphore_mem>>
          %dma_start3A_63 = arith.constant 0 : i32
          %dma_start3A_64 = arith.constant 0 : i32
          %dma_start3A_65 = tpu.memref_slice %arg7[%dma_start3A_63, %dma_start3A_64] : memref<128x128xf32, #tpu.memory_space<vmem>> -> memref<64x64xf32, #tpu.memory_space<vmem>>
          %dma_start3A_66 = arith.constant 0 : i32
          %dma_start3A_67 = tpu.memref_slice %arg4[%add3A_62, %dma_start3A_66] : memref<51200x128xf32, #tpu.memory_space<hbm>> -> memref<64x64xf32, #tpu.memory_space<hbm>>
          %dma_start3A_68 = arith.constant 0 : i32
          %dma_start3A_69 = tpu.memref_slice %arg4[%add3A_62, %dma_start3A_68] : memref<51200x128xf32, #tpu.memory_space<hbm>> -> memref<64x64xf32, #tpu.memory_space<hbm>>
          %dma_start3A_70 = arith.constant 0 : i32
          %dma_start3A_71 = arith.constant 0 : i32
          %dma_start3A_72 = tpu.memref_slice %arg7[%dma_start3A_70, %dma_start3A_71] : memref<128x128xf32, #tpu.memory_space<vmem>> -> memref<64x64xf32, #tpu.memory_space<vmem>>
          tpu.enqueue_dma source(%dma_start3A_72 : memref<64x64xf32, #tpu.memory_space<vmem>>) target(%dma_start3A_69 : memref<64x64xf32, #tpu.memory_space<hbm>>) target_semaphore(%run_scoped3A : memref<!tpu.dma_semaphore, #tpu.memory_space<semaphore_mem>>)
          %dma_wait3A_73 = arith.constant 0 : i32
          %dma_wait3A_74 = arith.constant 0 : i32
          %dma_wait3A_75 = tpu.memref_slice %arg7[%dma_wait3A_73, %dma_wait3A_74] : memref<128x128xf32, #tpu.memory_space<vmem>> -> memref<64x64xf32, #tpu.memory_space<vmem>>
          %dma_wait3A_76 = arith.constant 0 : i32
          %dma_wait3A_77 = tpu.memref_slice %arg4[%add3A_62, %dma_wait3A_76] : memref<51200x128xf32, #tpu.memory_space<hbm>> -> memref<64x64xf32, #tpu.memory_space<hbm>>
          %dma_wait3A_78 = arith.constant 0 : i32
          %dma_wait3A_79 = tpu.memref_slice %arg4[%add3A_62, %dma_wait3A_78] : memref<51200x128xf32, #tpu.memory_space<hbm>> -> memref<64x64xf32, #tpu.memory_space<hbm>>
          %dma_wait3A_80 = arith.constant 0 : i32
          %dma_wait3A_81 = arith.constant 0 : i32
          %dma_wait3A_82 = tpu.memref_slice %arg7[%dma_wait3A_80, %dma_wait3A_81] : memref<128x128xf32, #tpu.memory_space<vmem>> -> memref<64x64xf32, #tpu.memory_space<vmem>>
          tpu.wait_dma2 semaphore(%run_scoped3A : memref<!tpu.dma_semaphore, #tpu.memory_space<semaphore_mem>>) src(%dma_wait3A_82 : memref<64x64xf32, #tpu.memory_space<vmem>>) dst(%dma_wait3A_79 : memref<64x64xf32, #tpu.memory_space<hbm>>)
          tpu.yield
        }) : () -> ()
        "tpu.region"() ({
          %run_scoped3A = tpu.sem_alloc : memref<!tpu.dma_semaphore, #tpu.memory_space<semaphore_mem>>
          %dma_start3A_63 = arith.constant 64 : i32
          %dma_start3A_64 = arith.constant 0 : i32
          %dma_start3A_65 = tpu.memref_slice %arg7[%dma_start3A_63, %dma_start3A_64] : memref<128x128xf32, #tpu.memory_space<vmem>> -> memref<64x64xf32, #tpu.memory_space<vmem>>
          %dma_start3A_66 = arith.constant 64 : i32
          %dma_start3A_67 = tpu.memref_slice %arg4[%add3A_62, %dma_start3A_66] : memref<51200x128xf32, #tpu.memory_space<hbm>> -> memref<64x64xf32, #tpu.memory_space<hbm>>
          %dma_start3A_68 = arith.constant 64 : i32
          %dma_start3A_69 = tpu.memref_slice %arg4[%add3A_62, %dma_start3A_68] : memref<51200x128xf32, #tpu.memory_space<hbm>> -> memref<64x64xf32, #tpu.memory_space<hbm>>
          %dma_start3A_70 = arith.constant 64 : i32
          %dma_start3A_71 = arith.constant 0 : i32
          %dma_start3A_72 = tpu.memref_slice %arg7[%dma_start3A_70, %dma_start3A_71] : memref<128x128xf32, #tpu.memory_space<vmem>> -> memref<64x64xf32, #tpu.memory_space<vmem>>
          tpu.enqueue_dma source(%dma_start3A_72 : memref<64x64xf32, #tpu.memory_space<vmem>>) target(%dma_start3A_69 : memref<64x64xf32, #tpu.memory_space<hbm>>) target_semaphore(%run_scoped3A : memref<!tpu.dma_semaphore, #tpu.memory_space<semaphore_mem>>)
          %dma_wait3A_73 = arith.constant 64 : i32
          %dma_wait3A_74 = arith.constant 0 : i32
          %dma_wait3A_75 = tpu.memref_slice %arg7[%dma_wait3A_73, %dma_wait3A_74] : memref<128x128xf32, #tpu.memory_space<vmem>> -> memref<64x64xf32, #tpu.memory_space<vmem>>
          %dma_wait3A_76 = arith.constant 64 : i32
          %dma_wait3A_77 = tpu.memref_slice %arg4[%add3A_62, %dma_wait3A_76] : memref<51200x128xf32, #tpu.memory_space<hbm>> -> memref<64x64xf32, #tpu.memory_space<hbm>>
          %dma_wait3A_78 = arith.constant 64 : i32
          %dma_wait3A_79 = tpu.memref_slice %arg4[%add3A_62, %dma_wait3A_78] : memref<51200x128xf32, #tpu.memory_space<hbm>> -> memref<64x64xf32, #tpu.memory_space<hbm>>
          %dma_wait3A_80 = arith.constant 64 : i32
          %dma_wait3A_81 = arith.constant 0 : i32
          %dma_wait3A_82 = tpu.memref_slice %arg7[%dma_wait3A_80, %dma_wait3A_81] : memref<128x128xf32, #tpu.memory_space<vmem>> -> memref<64x64xf32, #tpu.memory_space<vmem>>
          tpu.wait_dma2 semaphore(%run_scoped3A : memref<!tpu.dma_semaphore, #tpu.memory_space<semaphore_mem>>) src(%dma_wait3A_82 : memref<64x64xf32, #tpu.memory_space<vmem>>) dst(%dma_wait3A_79 : memref<64x64xf32, #tpu.memory_space<hbm>>)
          tpu.yield
        }) : () -> ()
      } else {
      }
      %jit3A_29 = arith.constant 2 : i32
      %eq3A_30 = arith.constant 0 : i32
      %eq3A_31 = arith.cmpi eq, %jit3A_29, %eq3A_30 : i32
      %jit3A_32 = arith.constant 1 : i32
      %select_n3A_33 = arith.select %eq3A_31, %jit3A_32, %jit3A_29 : i32
      %rem3A_34 = arith.remsi %scan3A_15, %select_n3A_33 : i32
      %ne3A_35 = arith.constant 0 : i32
      %ne3A_36 = arith.cmpi ne, %rem3A_34, %ne3A_35 : i32
      %lt3A_37 = arith.constant 0 : i32
      %lt3A_38 = arith.cmpi slt, %rem3A_34, %lt3A_37 : i32
      %lt3A_39 = arith.constant 0 : i32
      %lt3A_40 = arith.cmpi slt, %select_n3A_33, %lt3A_39 : i32
      %ne3A_41 = arith.xori %lt3A_38, %lt3A_40 : i1
      %and3A_42 = arith.andi %ne3A_41, %ne3A_36 : i1
      %add3A_43 = arith.addi %rem3A_34, %select_n3A_33 : i32
      %select_n3A_44 = arith.select %and3A_42, %add3A_43, %rem3A_34 : i32
      %eq3A_45 = arith.constant 1 : i32
      %eq3A_46 = arith.cmpi eq, %select_n3A_44, %eq3A_45 : i32
      %convert_element_type3A_47 = arith.extui %eq3A_46 : i1 to i32
      %cond3A_48 = arith.constant 0 : i32
      %cond3A_49 = arith.cmpi ne, %convert_element_type3A_47, %cond3A_48 : i32
      scf.if %cond3A_49 {
        %add3A_51 = arith.constant 1 : i32
        %add3A_52 = arith.addi %scan3A_15, %add3A_51 : i32
        %lt3A_53 = arith.constant 25 : i32
        %lt3A_54 = arith.cmpi slt, %add3A_52, %lt3A_53 : i32
        %convert_element_type3A_55 = arith.extui %lt3A_54 : i1 to i32
        %cond3A_56 = arith.constant 0 : i32
        %cond3A_57 = arith.cmpi ne, %convert_element_type3A_55, %cond3A_56 : i32
        scf.if %cond3A_57 {
          %add3A_63 = arith.constant 1 : i32
          %add3A_64 = arith.addi %scan3A_15, %add3A_63 : i32
          %mul3A_65 = arith.constant 25 : i32
          %mul3A_66 = arith.muli %add3A, %mul3A_65 : i32
          %add3A_67 = arith.addi %mul3A_66, %add3A_64 : i32
          "tpu.region"() ({
            %run_scoped3A = tpu.sem_alloc : memref<!tpu.dma_semaphore, #tpu.memory_space<semaphore_mem>>
            %dma_start3A_71 = arith.constant 0 : i32
            %dma_start3A_72 = tpu.memref_slice %arg2[%add3A_67, %dma_start3A_71] : memref<800x128xi32, #tpu.memory_space<hbm>> -> memref<1x128xi32, #tpu.memory_space<hbm>>
            %dma_start3A_73 = tpu.memref_squeeze %dma_start3A_72 : memref<1x128xi32, #tpu.memory_space<hbm>> -> memref<128xi32, #tpu.memory_space<hbm>>
            %dma_start3A_74 = arith.constant 0 : i32
            %dma_start3A_75 = tpu.memref_slice %arg2[%add3A_67, %dma_start3A_74] : memref<800x128xi32, #tpu.memory_space<hbm>> -> memref<1x128xi32, #tpu.memory_space<hbm>>
            %dma_start3A_76 = tpu.memref_squeeze %dma_start3A_75 : memref<1x128xi32, #tpu.memory_space<hbm>> -> memref<128xi32, #tpu.memory_space<hbm>>
            tpu.enqueue_dma source(%dma_start3A_76 : memref<128xi32, #tpu.memory_space<hbm>>) target(%arg5 : memref<128xi32, #tpu.memory_space<vmem>>) target_semaphore(%run_scoped3A : memref<!tpu.dma_semaphore, #tpu.memory_space<semaphore_mem>>)
            %dma_wait3A_77 = arith.constant 0 : i32
            %dma_wait3A_78 = tpu.memref_slice %arg2[%add3A_67, %dma_wait3A_77] : memref<800x128xi32, #tpu.memory_space<hbm>> -> memref<1x128xi32, #tpu.memory_space<hbm>>
            %dma_wait3A_79 = tpu.memref_squeeze %dma_wait3A_78 : memref<1x128xi32, #tpu.memory_space<hbm>> -> memref<128xi32, #tpu.memory_space<hbm>>
            %dma_wait3A_80 = arith.constant 0 : i32
            %dma_wait3A_81 = tpu.memref_slice %arg2[%add3A_67, %dma_wait3A_80] : memref<800x128xi32, #tpu.memory_space<hbm>> -> memref<1x128xi32, #tpu.memory_space<hbm>>
            %dma_wait3A_82 = tpu.memref_squeeze %dma_wait3A_81 : memref<1x128xi32, #tpu.memory_space<hbm>> -> memref<128xi32, #tpu.memory_space<hbm>>
            tpu.wait_dma2 semaphore(%run_scoped3A : memref<!tpu.dma_semaphore, #tpu.memory_space<semaphore_mem>>) src(%dma_wait3A_82 : memref<128xi32, #tpu.memory_space<hbm>>) dst(%arg5 : memref<128xi32, #tpu.memory_space<vmem>>)
            tpu.yield
          }) : () -> ()
          %dma_start3A_68 = arith.constant 0 : i32
          %dma_start3A_69 = arith.constant 0 : i32
          %dma_start3A_70 = tpu.memref_slice %arg3[%dma_start3A_68, %dma_start3A_69] : memref<100000x128xf32, #tpu.memory_space<hbm>> -> memref<100000x128xf32, #tpu.memory_space<hbm>>
          tpu.enqueue_indirect_dma source(%dma_start3A_70 : memref<100000x128xf32, #tpu.memory_space<hbm>>) target(%arg7 : memref<128x128xf32, #tpu.memory_space<vmem>>) offsets(%arg5 : memref<128xi32, #tpu.memory_space<vmem>>) semaphore(%arg9 : memref<!tpu.dma_semaphore, #tpu.memory_space<semaphore_mem>>)
        } else {
        }
        %dma_wait3A = arith.constant 0 : i32
        %dma_wait3A_58 = arith.constant 0 : i32
        %dma_wait3A_59 = tpu.memref_slice %arg3[%dma_wait3A, %dma_wait3A_58] : memref<100000x128xf32, #tpu.memory_space<hbm>> -> memref<100000x128xf32, #tpu.memory_space<hbm>>
        tpu.wait_indirect_dma semaphore(%arg10 : memref<!tpu.dma_semaphore, #tpu.memory_space<semaphore_mem>>) src(%dma_wait3A_59 : memref<100000x128xf32, #tpu.memory_space<hbm>>) dst(%arg8 : memref<128x128xf32, #tpu.memory_space<vmem>>)
        %mul3A_60 = arith.constant 64 : i32
        %mul3A_61 = arith.muli %scan3A_15, %mul3A_60 : i32
        %add3A_62 = arith.addi %mul3A_2, %mul3A_61 : i32
        "tpu.region"() ({
          %run_scoped3A = tpu.sem_alloc : memref<!tpu.dma_semaphore, #tpu.memory_space<semaphore_mem>>
          %dma_start3A_63 = arith.constant 0 : i32
          %dma_start3A_64 = arith.constant 0 : i32
          %dma_start3A_65 = tpu.memref_slice %arg8[%dma_start3A_63, %dma_start3A_64] : memref<128x128xf32, #tpu.memory_space<vmem>> -> memref<64x64xf32, #tpu.memory_space<vmem>>
          %dma_start3A_66 = arith.constant 0 : i32
          %dma_start3A_67 = tpu.memref_slice %arg4[%add3A_62, %dma_start3A_66] : memref<51200x128xf32, #tpu.memory_space<hbm>> -> memref<64x64xf32, #tpu.memory_space<hbm>>
          %dma_start3A_68 = arith.constant 0 : i32
          %dma_start3A_69 = tpu.memref_slice %arg4[%add3A_62, %dma_start3A_68] : memref<51200x128xf32, #tpu.memory_space<hbm>> -> memref<64x64xf32, #tpu.memory_space<hbm>>
          %dma_start3A_70 = arith.constant 0 : i32
          %dma_start3A_71 = arith.constant 0 : i32
          %dma_start3A_72 = tpu.memref_slice %arg8[%dma_start3A_70, %dma_start3A_71] : memref<128x128xf32, #tpu.memory_space<vmem>> -> memref<64x64xf32, #tpu.memory_space<vmem>>
          tpu.enqueue_dma source(%dma_start3A_72 : memref<64x64xf32, #tpu.memory_space<vmem>>) target(%dma_start3A_69 : memref<64x64xf32, #tpu.memory_space<hbm>>) target_semaphore(%run_scoped3A : memref<!tpu.dma_semaphore, #tpu.memory_space<semaphore_mem>>)
          %dma_wait3A_73 = arith.constant 0 : i32
          %dma_wait3A_74 = arith.constant 0 : i32
          %dma_wait3A_75 = tpu.memref_slice %arg8[%dma_wait3A_73, %dma_wait3A_74] : memref<128x128xf32, #tpu.memory_space<vmem>> -> memref<64x64xf32, #tpu.memory_space<vmem>>
          %dma_wait3A_76 = arith.constant 0 : i32
          %dma_wait3A_77 = tpu.memref_slice %arg4[%add3A_62, %dma_wait3A_76] : memref<51200x128xf32, #tpu.memory_space<hbm>> -> memref<64x64xf32, #tpu.memory_space<hbm>>
          %dma_wait3A_78 = arith.constant 0 : i32
          %dma_wait3A_79 = tpu.memref_slice %arg4[%add3A_62, %dma_wait3A_78] : memref<51200x128xf32, #tpu.memory_space<hbm>> -> memref<64x64xf32, #tpu.memory_space<hbm>>
          %dma_wait3A_80 = arith.constant 0 : i32
          %dma_wait3A_81 = arith.constant 0 : i32
          %dma_wait3A_82 = tpu.memref_slice %arg8[%dma_wait3A_80, %dma_wait3A_81] : memref<128x128xf32, #tpu.memory_space<vmem>> -> memref<64x64xf32, #tpu.memory_space<vmem>>
          tpu.wait_dma2 semaphore(%run_scoped3A : memref<!tpu.dma_semaphore, #tpu.memory_space<semaphore_mem>>) src(%dma_wait3A_82 : memref<64x64xf32, #tpu.memory_space<vmem>>) dst(%dma_wait3A_79 : memref<64x64xf32, #tpu.memory_space<hbm>>)
          tpu.yield
        }) : () -> ()
        "tpu.region"() ({
          %run_scoped3A = tpu.sem_alloc : memref<!tpu.dma_semaphore, #tpu.memory_space<semaphore_mem>>
          %dma_start3A_63 = arith.constant 64 : i32
          %dma_start3A_64 = arith.constant 0 : i32
          %dma_start3A_65 = tpu.memref_slice %arg8[%dma_start3A_63, %dma_start3A_64] : memref<128x128xf32, #tpu.memory_space<vmem>> -> memref<64x64xf32, #tpu.memory_space<vmem>>
          %dma_start3A_66 = arith.constant 64 : i32
          %dma_start3A_67 = tpu.memref_slice %arg4[%add3A_62, %dma_start3A_66] : memref<51200x128xf32, #tpu.memory_space<hbm>> -> memref<64x64xf32, #tpu.memory_space<hbm>>
          %dma_start3A_68 = arith.constant 64 : i32
          %dma_start3A_69 = tpu.memref_slice %arg4[%add3A_62, %dma_start3A_68] : memref<51200x128xf32, #tpu.memory_space<hbm>> -> memref<64x64xf32, #tpu.memory_space<hbm>>
          %dma_start3A_70 = arith.constant 64 : i32
          %dma_start3A_71 = arith.constant 0 : i32
          %dma_start3A_72 = tpu.memref_slice %arg8[%dma_start3A_70, %dma_start3A_71] : memref<128x128xf32, #tpu.memory_space<vmem>> -> memref<64x64xf32, #tpu.memory_space<vmem>>
          tpu.enqueue_dma source(%dma_start3A_72 : memref<64x64xf32, #tpu.memory_space<vmem>>) target(%dma_start3A_69 : memref<64x64xf32, #tpu.memory_space<hbm>>) target_semaphore(%run_scoped3A : memref<!tpu.dma_semaphore, #tpu.memory_space<semaphore_mem>>)
          %dma_wait3A_73 = arith.constant 64 : i32
          %dma_wait3A_74 = arith.constant 0 : i32
          %dma_wait3A_75 = tpu.memref_slice %arg8[%dma_wait3A_73, %dma_wait3A_74] : memref<128x128xf32, #tpu.memory_space<vmem>> -> memref<64x64xf32, #tpu.memory_space<vmem>>
          %dma_wait3A_76 = arith.constant 64 : i32
          %dma_wait3A_77 = tpu.memref_slice %arg4[%add3A_62, %dma_wait3A_76] : memref<51200x128xf32, #tpu.memory_space<hbm>> -> memref<64x64xf32, #tpu.memory_space<hbm>>
          %dma_wait3A_78 = arith.constant 64 : i32
          %dma_wait3A_79 = tpu.memref_slice %arg4[%add3A_62, %dma_wait3A_78] : memref<51200x128xf32, #tpu.memory_space<hbm>> -> memref<64x64xf32, #tpu.memory_space<hbm>>
          %dma_wait3A_80 = arith.constant 64 : i32
          %dma_wait3A_81 = arith.constant 0 : i32
          %dma_wait3A_82 = tpu.memref_slice %arg8[%dma_wait3A_80, %dma_wait3A_81] : memref<128x128xf32, #tpu.memory_space<vmem>> -> memref<64x64xf32, #tpu.memory_space<vmem>>
          tpu.wait_dma2 semaphore(%run_scoped3A : memref<!tpu.dma_semaphore, #tpu.memory_space<semaphore_mem>>) src(%dma_wait3A_82 : memref<64x64xf32, #tpu.memory_space<vmem>>) dst(%dma_wait3A_79 : memref<64x64xf32, #tpu.memory_space<hbm>>)
          tpu.yield
        }) : () -> ()
      } else {
      }
      %scan3A_50 = arith.constant 0 : i32
      scf.yield %scan3A_50 : i32
    }
    %scan3A_14 = arith.constant 25 : i32
    return
  }
}

#map = affine_map<(d0, d1) -> (0, 0)>
module attributes {stable_mosaic.version = 14 : i64} {
  func.func @k(%arg0: i32, %arg1: i32, %arg2: memref<800x128xi32, #tpu.memory_space<hbm>>, %arg3: memref<100000x128xf32, #tpu.memory_space<hbm>>, %arg4: memref<51200x128xf32, #tpu.memory_space<hbm>>, %arg5: memref<128xi32, #tpu.memory_space<vmem>>, %arg6: memref<128xi32, #tpu.memory_space<vmem>>, %arg7: memref<128x128xf32, #tpu.memory_space<vmem>>, %arg8: memref<128x128xf32, #tpu.memory_space<vmem>>, %arg9: memref<!tpu.dma_semaphore, #tpu.memory_space<semaphore_mem>>, %arg10: memref<!tpu.dma_semaphore, #tpu.memory_space<semaphore_mem>>) attributes {dimension_semantics = [#tpu.dimension_semantics<core_parallel>, #tpu.dimension_semantics<subcore_parallel>], iteration_bounds = array<i64: 2, 16>, scalar_prefetch = 0 : i64, scratch_operands = 6 : i64, tpu.core_type = #tpu.core_type<sc_vector_subcore>, window_params = [{transform_indices = #map}, {transform_indices = #map}, {transform_indices = #map}]} {
    %mul3A = arith.constant 2 : i32
    %mul3A_0 = arith.muli %arg1, %mul3A : i32
    %add3A = arith.addi %mul3A_0, %arg0 : i32
    %mul3A_1 = arith.constant 1600 : i32
    %mul3A_2 = arith.muli %add3A, %mul3A_1 : i32
    %mul3A_3 = arith.constant 25 : i32
    %mul3A_4 = arith.muli %add3A, %mul3A_3 : i32
    %add3A_5 = arith.constant 0 : i32
    %add3A_6 = arith.addi %mul3A_4, %add3A_5 : i32
    "tpu.region"() ({
      %run_scoped3A = tpu.sem_alloc : memref<!tpu.dma_semaphore, #tpu.memory_space<semaphore_mem>>
      %dma_start3A_15 = arith.constant 0 : i32
      %dma_start3A_16 = tpu.memref_slice %arg2[%add3A_6, %dma_start3A_15] : memref<800x128xi32, #tpu.memory_space<hbm>> -> memref<1x128xi32, #tpu.memory_space<hbm>>
      %dma_start3A_17 = tpu.memref_squeeze %dma_start3A_16 : memref<1x128xi32, #tpu.memory_space<hbm>> -> memref<128xi32, #tpu.memory_space<hbm>>
      %dma_start3A_18 = arith.constant 0 : i32
      %dma_start3A_19 = tpu.memref_slice %arg2[%add3A_6, %dma_start3A_18] : memref<800x128xi32, #tpu.memory_space<hbm>> -> memref<1x128xi32, #tpu.memory_space<hbm>>
      %dma_start3A_20 = tpu.memref_squeeze %dma_start3A_19 : memref<1x128xi32, #tpu.memory_space<hbm>> -> memref<128xi32, #tpu.memory_space<hbm>>
      tpu.enqueue_dma source(%dma_start3A_20 : memref<128xi32, #tpu.memory_space<hbm>>) target(%arg5 : memref<128xi32, #tpu.memory_space<vmem>>) target_semaphore(%run_scoped3A : memref<!tpu.dma_semaphore, #tpu.memory_space<semaphore_mem>>)
      %dma_wait3A = arith.constant 0 : i32
      %dma_wait3A_21 = tpu.memref_slice %arg2[%add3A_6, %dma_wait3A] : memref<800x128xi32, #tpu.memory_space<hbm>> -> memref<1x128xi32, #tpu.memory_space<hbm>>
      %dma_wait3A_22 = tpu.memref_squeeze %dma_wait3A_21 : memref<1x128xi32, #tpu.memory_space<hbm>> -> memref<128xi32, #tpu.memory_space<hbm>>
      %dma_wait3A_23 = arith.constant 0 : i32
      %dma_wait3A_24 = tpu.memref_slice %arg2[%add3A_6, %dma_wait3A_23] : memref<800x128xi32, #tpu.memory_space<hbm>> -> memref<1x128xi32, #tpu.memory_space<hbm>>
      %dma_wait3A_25 = tpu.memref_squeeze %dma_wait3A_24 : memref<1x128xi32, #tpu.memory_space<hbm>> -> memref<128xi32, #tpu.memory_space<hbm>>
      tpu.wait_dma2 semaphore(%run_scoped3A : memref<!tpu.dma_semaphore, #tpu.memory_space<semaphore_mem>>) src(%dma_wait3A_25 : memref<128xi32, #tpu.memory_space<hbm>>) dst(%arg5 : memref<128xi32, #tpu.memory_space<vmem>>)
      tpu.yield
    }) : () -> ()
    %dma_start3A = arith.constant 0 : i32
    %dma_start3A_7 = arith.constant 0 : i32
    %dma_start3A_8 = tpu.memref_slice %arg3[%dma_start3A, %dma_start3A_7] : memref<100000x128xf32, #tpu.memory_space<hbm>> -> memref<100000x128xf32, #tpu.memory_space<hbm>>
    tpu.enqueue_indirect_dma source(%dma_start3A_8 : memref<100000x128xf32, #tpu.memory_space<hbm>>) target(%arg7 : memref<128x128xf32, #tpu.memory_space<vmem>>) offsets(%arg5 : memref<128xi32, #tpu.memory_space<vmem>>) semaphore(%arg9 : memref<!tpu.dma_semaphore, #tpu.memory_space<semaphore_mem>>)
    %scan3A = arith.constant 0 : i32
    %scan3A_9 = arith.constant 0 : i32
    %scan3A_10 = arith.constant 25 : i32
    %scan3A_11 = arith.addi %scan3A_9, %scan3A_10 : i32
    %scan3A_12 = arith.constant 1 : i32
    %scan3A_13 = scf.for %scan3A_15 = %scan3A_9 to %scan3A_11 step %scan3A_12 iter_args(%scan3A_16 = %scan3A) -> (i32)  : i32 {
      %jit3A = arith.constant 2 : i32
      %eq3A = arith.constant 0 : i32
      %eq3A_17 = arith.cmpi eq, %jit3A, %eq3A : i32
      %jit3A_18 = arith.constant 1 : i32
      %select_n3A = arith.select %eq3A_17, %jit3A_18, %jit3A : i32
      %rem3A = arith.remsi %scan3A_15, %select_n3A : i32
      %ne3A = arith.constant 0 : i32
      %ne3A_19 = arith.cmpi ne, %rem3A, %ne3A : i32
      %lt3A = arith.constant 0 : i32
      %lt3A_20 = arith.cmpi slt, %rem3A, %lt3A : i32
      %lt3A_21 = arith.constant 0 : i32
      %lt3A_22 = arith.cmpi slt, %select_n3A, %lt3A_21 : i32
      %ne3A_23 = arith.xori %lt3A_20, %lt3A_22 : i1
      %and3A = arith.andi %ne3A_23, %ne3A_19 : i1
      %add3A_24 = arith.addi %rem3A, %select_n3A : i32
      %select_n3A_25 = arith.select %and3A, %add3A_24, %rem3A : i32
      %eq3A_26 = arith.constant 0 : i32
      %eq3A_27 = arith.cmpi eq, %select_n3A_25, %eq3A_26 : i32
      %convert_element_type3A = arith.extui %eq3A_27 : i1 to i32
      %cond3A = arith.constant 0 : i32
      %cond3A_28 = arith.cmpi ne, %convert_element_type3A, %cond3A : i32
      scf.if %cond3A_28 {
        %add3A_51 = arith.constant 1 : i32
        %add3A_52 = arith.addi %scan3A_15, %add3A_51 : i32
        %lt3A_53 = arith.constant 25 : i32
        %lt3A_54 = arith.cmpi slt, %add3A_52, %lt3A_53 : i32
        %convert_element_type3A_55 = arith.extui %lt3A_54 : i1 to i32
        %cond3A_56 = arith.constant 0 : i32
        %cond3A_57 = arith.cmpi ne, %convert_element_type3A_55, %cond3A_56 : i32
        scf.if %cond3A_57 {
          %add3A_63 = arith.constant 1 : i32
          %add3A_64 = arith.addi %scan3A_15, %add3A_63 : i32
          %mul3A_65 = arith.constant 25 : i32
          %mul3A_66 = arith.muli %add3A, %mul3A_65 : i32
          %add3A_67 = arith.addi %mul3A_66, %add3A_64 : i32
          "tpu.region"() ({
            %run_scoped3A = tpu.sem_alloc : memref<!tpu.dma_semaphore, #tpu.memory_space<semaphore_mem>>
            %dma_start3A_71 = arith.constant 0 : i32
            %dma_start3A_72 = tpu.memref_slice %arg2[%add3A_67, %dma_start3A_71] : memref<800x128xi32, #tpu.memory_space<hbm>> -> memref<1x128xi32, #tpu.memory_space<hbm>>
            %dma_start3A_73 = tpu.memref_squeeze %dma_start3A_72 : memref<1x128xi32, #tpu.memory_space<hbm>> -> memref<128xi32, #tpu.memory_space<hbm>>
            %dma_start3A_74 = arith.constant 0 : i32
            %dma_start3A_75 = tpu.memref_slice %arg2[%add3A_67, %dma_start3A_74] : memref<800x128xi32, #tpu.memory_space<hbm>> -> memref<1x128xi32, #tpu.memory_space<hbm>>
            %dma_start3A_76 = tpu.memref_squeeze %dma_start3A_75 : memref<1x128xi32, #tpu.memory_space<hbm>> -> memref<128xi32, #tpu.memory_space<hbm>>
            tpu.enqueue_dma source(%dma_start3A_76 : memref<128xi32, #tpu.memory_space<hbm>>) target(%arg6 : memref<128xi32, #tpu.memory_space<vmem>>) target_semaphore(%run_scoped3A : memref<!tpu.dma_semaphore, #tpu.memory_space<semaphore_mem>>)
            %dma_wait3A_77 = arith.constant 0 : i32
            %dma_wait3A_78 = tpu.memref_slice %arg2[%add3A_67, %dma_wait3A_77] : memref<800x128xi32, #tpu.memory_space<hbm>> -> memref<1x128xi32, #tpu.memory_space<hbm>>
            %dma_wait3A_79 = tpu.memref_squeeze %dma_wait3A_78 : memref<1x128xi32, #tpu.memory_space<hbm>> -> memref<128xi32, #tpu.memory_space<hbm>>
            %dma_wait3A_80 = arith.constant 0 : i32
            %dma_wait3A_81 = tpu.memref_slice %arg2[%add3A_67, %dma_wait3A_80] : memref<800x128xi32, #tpu.memory_space<hbm>> -> memref<1x128xi32, #tpu.memory_space<hbm>>
            %dma_wait3A_82 = tpu.memref_squeeze %dma_wait3A_81 : memref<1x128xi32, #tpu.memory_space<hbm>> -> memref<128xi32, #tpu.memory_space<hbm>>
            tpu.wait_dma2 semaphore(%run_scoped3A : memref<!tpu.dma_semaphore, #tpu.memory_space<semaphore_mem>>) src(%dma_wait3A_82 : memref<128xi32, #tpu.memory_space<hbm>>) dst(%arg6 : memref<128xi32, #tpu.memory_space<vmem>>)
            tpu.yield
          }) : () -> ()
          %dma_start3A_68 = arith.constant 0 : i32
          %dma_start3A_69 = arith.constant 0 : i32
          %dma_start3A_70 = tpu.memref_slice %arg3[%dma_start3A_68, %dma_start3A_69] : memref<100000x128xf32, #tpu.memory_space<hbm>> -> memref<100000x128xf32, #tpu.memory_space<hbm>>
          tpu.enqueue_indirect_dma source(%dma_start3A_70 : memref<100000x128xf32, #tpu.memory_space<hbm>>) target(%arg8 : memref<128x128xf32, #tpu.memory_space<vmem>>) offsets(%arg6 : memref<128xi32, #tpu.memory_space<vmem>>) semaphore(%arg10 : memref<!tpu.dma_semaphore, #tpu.memory_space<semaphore_mem>>)
        } else {
        }
        %dma_wait3A = arith.constant 0 : i32
        %dma_wait3A_58 = arith.constant 0 : i32
        %dma_wait3A_59 = tpu.memref_slice %arg3[%dma_wait3A, %dma_wait3A_58] : memref<100000x128xf32, #tpu.memory_space<hbm>> -> memref<100000x128xf32, #tpu.memory_space<hbm>>
        tpu.wait_indirect_dma semaphore(%arg9 : memref<!tpu.dma_semaphore, #tpu.memory_space<semaphore_mem>>) src(%dma_wait3A_59 : memref<100000x128xf32, #tpu.memory_space<hbm>>) dst(%arg7 : memref<128x128xf32, #tpu.memory_space<vmem>>)
        %mul3A_60 = arith.constant 64 : i32
        %mul3A_61 = arith.muli %scan3A_15, %mul3A_60 : i32
        %add3A_62 = arith.addi %mul3A_2, %mul3A_61 : i32
        "tpu.region"() ({
          %run_scoped3A = tpu.sem_alloc : memref<!tpu.dma_semaphore, #tpu.memory_space<semaphore_mem>>
          %dma_start3A_63 = arith.constant 0 : i32
          %dma_start3A_64 = arith.constant 0 : i32
          %dma_start3A_65 = tpu.memref_slice %arg7[%dma_start3A_63, %dma_start3A_64] : memref<128x128xf32, #tpu.memory_space<vmem>> -> memref<64x64xf32, #tpu.memory_space<vmem>>
          %dma_start3A_66 = arith.constant 0 : i32
          %dma_start3A_67 = tpu.memref_slice %arg4[%add3A_62, %dma_start3A_66] : memref<51200x128xf32, #tpu.memory_space<hbm>> -> memref<64x64xf32, #tpu.memory_space<hbm>>
          %dma_start3A_68 = arith.constant 0 : i32
          %dma_start3A_69 = tpu.memref_slice %arg4[%add3A_62, %dma_start3A_68] : memref<51200x128xf32, #tpu.memory_space<hbm>> -> memref<64x64xf32, #tpu.memory_space<hbm>>
          %dma_start3A_70 = arith.constant 0 : i32
          %dma_start3A_71 = arith.constant 0 : i32
          %dma_start3A_72 = tpu.memref_slice %arg7[%dma_start3A_70, %dma_start3A_71] : memref<128x128xf32, #tpu.memory_space<vmem>> -> memref<64x64xf32, #tpu.memory_space<vmem>>
          tpu.enqueue_dma source(%dma_start3A_72 : memref<64x64xf32, #tpu.memory_space<vmem>>) target(%dma_start3A_69 : memref<64x64xf32, #tpu.memory_space<hbm>>) target_semaphore(%run_scoped3A : memref<!tpu.dma_semaphore, #tpu.memory_space<semaphore_mem>>)
          %dma_wait3A_73 = arith.constant 0 : i32
          %dma_wait3A_74 = arith.constant 0 : i32
          %dma_wait3A_75 = tpu.memref_slice %arg7[%dma_wait3A_73, %dma_wait3A_74] : memref<128x128xf32, #tpu.memory_space<vmem>> -> memref<64x64xf32, #tpu.memory_space<vmem>>
          %dma_wait3A_76 = arith.constant 0 : i32
          %dma_wait3A_77 = tpu.memref_slice %arg4[%add3A_62, %dma_wait3A_76] : memref<51200x128xf32, #tpu.memory_space<hbm>> -> memref<64x64xf32, #tpu.memory_space<hbm>>
          %dma_wait3A_78 = arith.constant 0 : i32
          %dma_wait3A_79 = tpu.memref_slice %arg4[%add3A_62, %dma_wait3A_78] : memref<51200x128xf32, #tpu.memory_space<hbm>> -> memref<64x64xf32, #tpu.memory_space<hbm>>
          %dma_wait3A_80 = arith.constant 0 : i32
          %dma_wait3A_81 = arith.constant 0 : i32
          %dma_wait3A_82 = tpu.memref_slice %arg7[%dma_wait3A_80, %dma_wait3A_81] : memref<128x128xf32, #tpu.memory_space<vmem>> -> memref<64x64xf32, #tpu.memory_space<vmem>>
          tpu.wait_dma2 semaphore(%run_scoped3A : memref<!tpu.dma_semaphore, #tpu.memory_space<semaphore_mem>>) src(%dma_wait3A_82 : memref<64x64xf32, #tpu.memory_space<vmem>>) dst(%dma_wait3A_79 : memref<64x64xf32, #tpu.memory_space<hbm>>)
          tpu.yield
        }) : () -> ()
        "tpu.region"() ({
          %run_scoped3A = tpu.sem_alloc : memref<!tpu.dma_semaphore, #tpu.memory_space<semaphore_mem>>
          %dma_start3A_63 = arith.constant 64 : i32
          %dma_start3A_64 = arith.constant 0 : i32
          %dma_start3A_65 = tpu.memref_slice %arg7[%dma_start3A_63, %dma_start3A_64] : memref<128x128xf32, #tpu.memory_space<vmem>> -> memref<64x64xf32, #tpu.memory_space<vmem>>
          %dma_start3A_66 = arith.constant 64 : i32
          %dma_start3A_67 = tpu.memref_slice %arg4[%add3A_62, %dma_start3A_66] : memref<51200x128xf32, #tpu.memory_space<hbm>> -> memref<64x64xf32, #tpu.memory_space<hbm>>
          %dma_start3A_68 = arith.constant 64 : i32
          %dma_start3A_69 = tpu.memref_slice %arg4[%add3A_62, %dma_start3A_68] : memref<51200x128xf32, #tpu.memory_space<hbm>> -> memref<64x64xf32, #tpu.memory_space<hbm>>
          %dma_start3A_70 = arith.constant 64 : i32
          %dma_start3A_71 = arith.constant 0 : i32
          %dma_start3A_72 = tpu.memref_slice %arg7[%dma_start3A_70, %dma_start3A_71] : memref<128x128xf32, #tpu.memory_space<vmem>> -> memref<64x64xf32, #tpu.memory_space<vmem>>
          tpu.enqueue_dma source(%dma_start3A_72 : memref<64x64xf32, #tpu.memory_space<vmem>>) target(%dma_start3A_69 : memref<64x64xf32, #tpu.memory_space<hbm>>) target_semaphore(%run_scoped3A : memref<!tpu.dma_semaphore, #tpu.memory_space<semaphore_mem>>)
          %dma_wait3A_73 = arith.constant 64 : i32
          %dma_wait3A_74 = arith.constant 0 : i32
          %dma_wait3A_75 = tpu.memref_slice %arg7[%dma_wait3A_73, %dma_wait3A_74] : memref<128x128xf32, #tpu.memory_space<vmem>> -> memref<64x64xf32, #tpu.memory_space<vmem>>
          %dma_wait3A_76 = arith.constant 64 : i32
          %dma_wait3A_77 = tpu.memref_slice %arg4[%add3A_62, %dma_wait3A_76] : memref<51200x128xf32, #tpu.memory_space<hbm>> -> memref<64x64xf32, #tpu.memory_space<hbm>>
          %dma_wait3A_78 = arith.constant 64 : i32
          %dma_wait3A_79 = tpu.memref_slice %arg4[%add3A_62, %dma_wait3A_78] : memref<51200x128xf32, #tpu.memory_space<hbm>> -> memref<64x64xf32, #tpu.memory_space<hbm>>
          %dma_wait3A_80 = arith.constant 64 : i32
          %dma_wait3A_81 = arith.constant 0 : i32
          %dma_wait3A_82 = tpu.memref_slice %arg7[%dma_wait3A_80, %dma_wait3A_81] : memref<128x128xf32, #tpu.memory_space<vmem>> -> memref<64x64xf32, #tpu.memory_space<vmem>>
          tpu.wait_dma2 semaphore(%run_scoped3A : memref<!tpu.dma_semaphore, #tpu.memory_space<semaphore_mem>>) src(%dma_wait3A_82 : memref<64x64xf32, #tpu.memory_space<vmem>>) dst(%dma_wait3A_79 : memref<64x64xf32, #tpu.memory_space<hbm>>)
          tpu.yield
        }) : () -> ()
      } else {
      }
      %jit3A_29 = arith.constant 2 : i32
      %eq3A_30 = arith.constant 0 : i32
      %eq3A_31 = arith.cmpi eq, %jit3A_29, %eq3A_30 : i32
      %jit3A_32 = arith.constant 1 : i32
      %select_n3A_33 = arith.select %eq3A_31, %jit3A_32, %jit3A_29 : i32
      %rem3A_34 = arith.remsi %scan3A_15, %select_n3A_33 : i32
      %ne3A_35 = arith.constant 0 : i32
      %ne3A_36 = arith.cmpi ne, %rem3A_34, %ne3A_35 : i32
      %lt3A_37 = arith.constant 0 : i32
      %lt3A_38 = arith.cmpi slt, %rem3A_34, %lt3A_37 : i32
      %lt3A_39 = arith.constant 0 : i32
      %lt3A_40 = arith.cmpi slt, %select_n3A_33, %lt3A_39 : i32
      %ne3A_41 = arith.xori %lt3A_38, %lt3A_40 : i1
      %and3A_42 = arith.andi %ne3A_41, %ne3A_36 : i1
      %add3A_43 = arith.addi %rem3A_34, %select_n3A_33 : i32
      %select_n3A_44 = arith.select %and3A_42, %add3A_43, %rem3A_34 : i32
      %eq3A_45 = arith.constant 1 : i32
      %eq3A_46 = arith.cmpi eq, %select_n3A_44, %eq3A_45 : i32
      %convert_element_type3A_47 = arith.extui %eq3A_46 : i1 to i32
      %cond3A_48 = arith.constant 0 : i32
      %cond3A_49 = arith.cmpi ne, %convert_element_type3A_47, %cond3A_48 : i32
      scf.if %cond3A_49 {
        %add3A_51 = arith.constant 1 : i32
        %add3A_52 = arith.addi %scan3A_15, %add3A_51 : i32
        %lt3A_53 = arith.constant 25 : i32
        %lt3A_54 = arith.cmpi slt, %add3A_52, %lt3A_53 : i32
        %convert_element_type3A_55 = arith.extui %lt3A_54 : i1 to i32
        %cond3A_56 = arith.constant 0 : i32
        %cond3A_57 = arith.cmpi ne, %convert_element_type3A_55, %cond3A_56 : i32
        scf.if %cond3A_57 {
          %add3A_63 = arith.constant 1 : i32
          %add3A_64 = arith.addi %scan3A_15, %add3A_63 : i32
          %mul3A_65 = arith.constant 25 : i32
          %mul3A_66 = arith.muli %add3A, %mul3A_65 : i32
          %add3A_67 = arith.addi %mul3A_66, %add3A_64 : i32
          "tpu.region"() ({
            %run_scoped3A = tpu.sem_alloc : memref<!tpu.dma_semaphore, #tpu.memory_space<semaphore_mem>>
            %dma_start3A_71 = arith.constant 0 : i32
            %dma_start3A_72 = tpu.memref_slice %arg2[%add3A_67, %dma_start3A_71] : memref<800x128xi32, #tpu.memory_space<hbm>> -> memref<1x128xi32, #tpu.memory_space<hbm>>
            %dma_start3A_73 = tpu.memref_squeeze %dma_start3A_72 : memref<1x128xi32, #tpu.memory_space<hbm>> -> memref<128xi32, #tpu.memory_space<hbm>>
            %dma_start3A_74 = arith.constant 0 : i32
            %dma_start3A_75 = tpu.memref_slice %arg2[%add3A_67, %dma_start3A_74] : memref<800x128xi32, #tpu.memory_space<hbm>> -> memref<1x128xi32, #tpu.memory_space<hbm>>
            %dma_start3A_76 = tpu.memref_squeeze %dma_start3A_75 : memref<1x128xi32, #tpu.memory_space<hbm>> -> memref<128xi32, #tpu.memory_space<hbm>>
            tpu.enqueue_dma source(%dma_start3A_76 : memref<128xi32, #tpu.memory_space<hbm>>) target(%arg5 : memref<128xi32, #tpu.memory_space<vmem>>) target_semaphore(%run_scoped3A : memref<!tpu.dma_semaphore, #tpu.memory_space<semaphore_mem>>)
            %dma_wait3A_77 = arith.constant 0 : i32
            %dma_wait3A_78 = tpu.memref_slice %arg2[%add3A_67, %dma_wait3A_77] : memref<800x128xi32, #tpu.memory_space<hbm>> -> memref<1x128xi32, #tpu.memory_space<hbm>>
            %dma_wait3A_79 = tpu.memref_squeeze %dma_wait3A_78 : memref<1x128xi32, #tpu.memory_space<hbm>> -> memref<128xi32, #tpu.memory_space<hbm>>
            %dma_wait3A_80 = arith.constant 0 : i32
            %dma_wait3A_81 = tpu.memref_slice %arg2[%add3A_67, %dma_wait3A_80] : memref<800x128xi32, #tpu.memory_space<hbm>> -> memref<1x128xi32, #tpu.memory_space<hbm>>
            %dma_wait3A_82 = tpu.memref_squeeze %dma_wait3A_81 : memref<1x128xi32, #tpu.memory_space<hbm>> -> memref<128xi32, #tpu.memory_space<hbm>>
            tpu.wait_dma2 semaphore(%run_scoped3A : memref<!tpu.dma_semaphore, #tpu.memory_space<semaphore_mem>>) src(%dma_wait3A_82 : memref<128xi32, #tpu.memory_space<hbm>>) dst(%arg5 : memref<128xi32, #tpu.memory_space<vmem>>)
            tpu.yield
          }) : () -> ()
          %dma_start3A_68 = arith.constant 0 : i32
          %dma_start3A_69 = arith.constant 0 : i32
          %dma_start3A_70 = tpu.memref_slice %arg3[%dma_start3A_68, %dma_start3A_69] : memref<100000x128xf32, #tpu.memory_space<hbm>> -> memref<100000x128xf32, #tpu.memory_space<hbm>>
          tpu.enqueue_indirect_dma source(%dma_start3A_70 : memref<100000x128xf32, #tpu.memory_space<hbm>>) target(%arg7 : memref<128x128xf32, #tpu.memory_space<vmem>>) offsets(%arg5 : memref<128xi32, #tpu.memory_space<vmem>>) semaphore(%arg9 : memref<!tpu.dma_semaphore, #tpu.memory_space<semaphore_mem>>)
        } else {
        }
        %dma_wait3A = arith.constant 0 : i32
        %dma_wait3A_58 = arith.constant 0 : i32
        %dma_wait3A_59 = tpu.memref_slice %arg3[%dma_wait3A, %dma_wait3A_58] : memref<100000x128xf32, #tpu.memory_space<hbm>> -> memref<100000x128xf32, #tpu.memory_space<hbm>>
        tpu.wait_indirect_dma semaphore(%arg10 : memref<!tpu.dma_semaphore, #tpu.memory_space<semaphore_mem>>) src(%dma_wait3A_59 : memref<100000x128xf32, #tpu.memory_space<hbm>>) dst(%arg8 : memref<128x128xf32, #tpu.memory_space<vmem>>)
        %mul3A_60 = arith.constant 64 : i32
        %mul3A_61 = arith.muli %scan3A_15, %mul3A_60 : i32
        %add3A_62 = arith.addi %mul3A_2, %mul3A_61 : i32
        "tpu.region"() ({
          %run_scoped3A = tpu.sem_alloc : memref<!tpu.dma_semaphore, #tpu.memory_space<semaphore_mem>>
          %dma_start3A_63 = arith.constant 0 : i32
          %dma_start3A_64 = arith.constant 0 : i32
          %dma_start3A_65 = tpu.memref_slice %arg8[%dma_start3A_63, %dma_start3A_64] : memref<128x128xf32, #tpu.memory_space<vmem>> -> memref<64x64xf32, #tpu.memory_space<vmem>>
          %dma_start3A_66 = arith.constant 0 : i32
          %dma_start3A_67 = tpu.memref_slice %arg4[%add3A_62, %dma_start3A_66] : memref<51200x128xf32, #tpu.memory_space<hbm>> -> memref<64x64xf32, #tpu.memory_space<hbm>>
          %dma_start3A_68 = arith.constant 0 : i32
          %dma_start3A_69 = tpu.memref_slice %arg4[%add3A_62, %dma_start3A_68] : memref<51200x128xf32, #tpu.memory_space<hbm>> -> memref<64x64xf32, #tpu.memory_space<hbm>>
          %dma_start3A_70 = arith.constant 0 : i32
          %dma_start3A_71 = arith.constant 0 : i32
          %dma_start3A_72 = tpu.memref_slice %arg8[%dma_start3A_70, %dma_start3A_71] : memref<128x128xf32, #tpu.memory_space<vmem>> -> memref<64x64xf32, #tpu.memory_space<vmem>>
          tpu.enqueue_dma source(%dma_start3A_72 : memref<64x64xf32, #tpu.memory_space<vmem>>) target(%dma_start3A_69 : memref<64x64xf32, #tpu.memory_space<hbm>>) target_semaphore(%run_scoped3A : memref<!tpu.dma_semaphore, #tpu.memory_space<semaphore_mem>>)
          %dma_wait3A_73 = arith.constant 0 : i32
          %dma_wait3A_74 = arith.constant 0 : i32
          %dma_wait3A_75 = tpu.memref_slice %arg8[%dma_wait3A_73, %dma_wait3A_74] : memref<128x128xf32, #tpu.memory_space<vmem>> -> memref<64x64xf32, #tpu.memory_space<vmem>>
          %dma_wait3A_76 = arith.constant 0 : i32
          %dma_wait3A_77 = tpu.memref_slice %arg4[%add3A_62, %dma_wait3A_76] : memref<51200x128xf32, #tpu.memory_space<hbm>> -> memref<64x64xf32, #tpu.memory_space<hbm>>
          %dma_wait3A_78 = arith.constant 0 : i32
          %dma_wait3A_79 = tpu.memref_slice %arg4[%add3A_62, %dma_wait3A_78] : memref<51200x128xf32, #tpu.memory_space<hbm>> -> memref<64x64xf32, #tpu.memory_space<hbm>>
          %dma_wait3A_80 = arith.constant 0 : i32
          %dma_wait3A_81 = arith.constant 0 : i32
          %dma_wait3A_82 = tpu.memref_slice %arg8[%dma_wait3A_80, %dma_wait3A_81] : memref<128x128xf32, #tpu.memory_space<vmem>> -> memref<64x64xf32, #tpu.memory_space<vmem>>
          tpu.wait_dma2 semaphore(%run_scoped3A : memref<!tpu.dma_semaphore, #tpu.memory_space<semaphore_mem>>) src(%dma_wait3A_82 : memref<64x64xf32, #tpu.memory_space<vmem>>) dst(%dma_wait3A_79 : memref<64x64xf32, #tpu.memory_space<hbm>>)
          tpu.yield
        }) : () -> ()
        "tpu.region"() ({
          %run_scoped3A = tpu.sem_alloc : memref<!tpu.dma_semaphore, #tpu.memory_space<semaphore_mem>>
          %dma_start3A_63 = arith.constant 64 : i32
          %dma_start3A_64 = arith.constant 0 : i32
          %dma_start3A_65 = tpu.memref_slice %arg8[%dma_start3A_63, %dma_start3A_64] : memref<128x128xf32, #tpu.memory_space<vmem>> -> memref<64x64xf32, #tpu.memory_space<vmem>>
          %dma_start3A_66 = arith.constant 64 : i32
          %dma_start3A_67 = tpu.memref_slice %arg4[%add3A_62, %dma_start3A_66] : memref<51200x128xf32, #tpu.memory_space<hbm>> -> memref<64x64xf32, #tpu.memory_space<hbm>>
          %dma_start3A_68 = arith.constant 64 : i32
          %dma_start3A_69 = tpu.memref_slice %arg4[%add3A_62, %dma_start3A_68] : memref<51200x128xf32, #tpu.memory_space<hbm>> -> memref<64x64xf32, #tpu.memory_space<hbm>>
          %dma_start3A_70 = arith.constant 64 : i32
          %dma_start3A_71 = arith.constant 0 : i32
          %dma_start3A_72 = tpu.memref_slice %arg8[%dma_start3A_70, %dma_start3A_71] : memref<128x128xf32, #tpu.memory_space<vmem>> -> memref<64x64xf32, #tpu.memory_space<vmem>>
          tpu.enqueue_dma source(%dma_start3A_72 : memref<64x64xf32, #tpu.memory_space<vmem>>) target(%dma_start3A_69 : memref<64x64xf32, #tpu.memory_space<hbm>>) target_semaphore(%run_scoped3A : memref<!tpu.dma_semaphore, #tpu.memory_space<semaphore_mem>>)
          %dma_wait3A_73 = arith.constant 64 : i32
          %dma_wait3A_74 = arith.constant 0 : i32
          %dma_wait3A_75 = tpu.memref_slice %arg8[%dma_wait3A_73, %dma_wait3A_74] : memref<128x128xf32, #tpu.memory_space<vmem>> -> memref<64x64xf32, #tpu.memory_space<vmem>>
          %dma_wait3A_76 = arith.constant 64 : i32
          %dma_wait3A_77 = tpu.memref_slice %arg4[%add3A_62, %dma_wait3A_76] : memref<51200x128xf32, #tpu.memory_space<hbm>> -> memref<64x64xf32, #tpu.memory_space<hbm>>
          %dma_wait3A_78 = arith.constant 64 : i32
          %dma_wait3A_79 = tpu.memref_slice %arg4[%add3A_62, %dma_wait3A_78] : memref<51200x128xf32, #tpu.memory_space<hbm>> -> memref<64x64xf32, #tpu.memory_space<hbm>>
          %dma_wait3A_80 = arith.constant 64 : i32
          %dma_wait3A_81 = arith.constant 0 : i32
          %dma_wait3A_82 = tpu.memref_slice %arg8[%dma_wait3A_80, %dma_wait3A_81] : memref<128x128xf32, #tpu.memory_space<vmem>> -> memref<64x64xf32, #tpu.memory_space<vmem>>
          tpu.wait_dma2 semaphore(%run_scoped3A : memref<!tpu.dma_semaphore, #tpu.memory_space<semaphore_mem>>) src(%dma_wait3A_82 : memref<64x64xf32, #tpu.memory_space<vmem>>) dst(%dma_wait3A_79 : memref<64x64xf32, #tpu.memory_space<hbm>>)
          tpu.yield
        }) : () -> ()
      } else {
      }
      %scan3A_50 = arith.constant 0 : i32
      scf.yield %scan3A_50 : i32
    }
    %scan3A_14 = arith.constant 25 : i32
    return
  }
}

module attributes {stable_mosaic.version = 14 : i64} {
  func.func @_lstm_body(%arg0: i32, %arg1: memref<50x512x128xf32, #tpu.memory_space<vmem>>, %arg2: memref<256x512xbf16, #tpu.memory_space<vmem>>, %arg3: memref<512x256xf32, #tpu.memory_space<vmem>>, %arg4: memref<512x256xbf16, #tpu.memory_space<vmem>>, %arg5: memref<512x256xbf16, #tpu.memory_space<vmem>>) attributes {dimension_semantics = [#tpu.dimension_semantics<arbitrary>], iteration_bounds = array<i64: 2>, scalar_prefetch = 0 : i64, scratch_operands = 2 : i64, tpu.core_type = #tpu.core_type<tc>, window_params = [{transform_indices = @transform_0, window_bounds = array<i64: 50, 512, 128>}, {pipeline_mode = #tpu.pipeline_mode<synchronous>, transform_indices = @transform_1, window_bounds = array<i64: 256, 512>}, {transform_indices = @transform_2, window_bounds = array<i64: 512, 256>}]} {
    %broadcast_in_dim3A = arith.constant 1.000000e+00 : bf16
    %broadcast_in_dim3A_0 = vector.broadcast %broadcast_in_dim3A : bf16 to vector<512x64xbf16>
    %swap3A = arith.constant 0 : index
    %swap3A_1 = arith.constant 192 : index
    %swap3A_2 = vector.load %arg4[%swap3A, %swap3A_1] : memref<512x256xbf16, #tpu.memory_space<vmem>>, vector<512x64xbf16>
    tpu.vector_store %arg4[%swap3A, %swap3A_1], %broadcast_in_dim3A_0 {strides = array<i32>} : memref<512x256xbf16, #tpu.memory_space<vmem>>, vector<512x64xbf16>,
    %swap3A_3 = arith.constant 0 : index
    %swap3A_4 = arith.constant 192 : index
    %swap3A_5 = vector.load %arg5[%swap3A_3, %swap3A_4] : memref<512x256xbf16, #tpu.memory_space<vmem>>, vector<512x64xbf16>
    tpu.vector_store %arg5[%swap3A_3, %swap3A_4], %broadcast_in_dim3A_0 {strides = array<i32>} : memref<512x256xbf16, #tpu.memory_space<vmem>>, vector<512x64xbf16>,
    %broadcast_in_dim3A_6 = arith.constant 0.000000e+00 : f32
    %broadcast_in_dim3A_7 = vector.broadcast %broadcast_in_dim3A_6 : f32 to vector<512x128xf32>
    %scan3A = arith.constant 0 : i32
    %scan3A_8 = arith.constant 50 : i32
    %scan3A_9 = arith.addi %scan3A, %scan3A_8 : i32
    %scan3A_10 = arith.constant 1 : i32
    %scan3A_11:4 = scf.for %scan3A_19 = %scan3A to %scan3A_9 step %scan3A_10 iter_args(%scan3A_20 = %broadcast_in_dim3A_7, %scan3A_21 = %broadcast_in_dim3A_7, %scan3A_22 = %broadcast_in_dim3A_7, %scan3A_23 = %broadcast_in_dim3A_7) -> (vector<512x128xf32>, vector<512x128xf32>, vector<512x128xf32>, vector<512x128xf32>)  : i32 {
      %get3A = arith.index_cast %scan3A_19 : i32 to index
      %get3A_24 = arith.constant 0 : index
      %get3A_25 = arith.constant 0 : index
      %get3A_26 = vector.load %arg1[%get3A, %get3A_24, %get3A_25] : memref<50x512x128xf32, #tpu.memory_space<vmem>>, vector<1x512x128xf32>
      %get3A_27 = vector.shape_cast %get3A_26 : vector<1x512x128xf32> to vector<512x128xf32>
      %convert_element_type3A = arith.truncf %get3A_27 : vector<512x128xf32> to vector<512x128xbf16>
      %slice3A = vector.extract_strided_slice %convert_element_type3A {offsets = [0, 0], sizes = [512, 64], strides = [1, 1]} : vector<512x128xbf16> to vector<512x64xbf16>
      %swap3A_28 = arith.constant 0 : index
      %swap3A_29 = arith.constant 0 : index
      %swap3A_30 = vector.load %arg4[%swap3A_28, %swap3A_29] : memref<512x256xbf16, #tpu.memory_space<vmem>>, vector<512x64xbf16>
      tpu.vector_store %arg4[%swap3A_28, %swap3A_29], %slice3A {strides = array<i32>} : memref<512x256xbf16, #tpu.memory_space<vmem>>, vector<512x64xbf16>,
      %convert_element_type3A_31 = arith.truncf %scan3A_20 : vector<512x128xf32> to vector<512x128xbf16>
      %swap3A_32 = arith.constant 0 : index
      %swap3A_33 = arith.constant 64 : index
      %swap3A_34 = vector.load %arg4[%swap3A_32, %swap3A_33] : memref<512x256xbf16, #tpu.memory_space<vmem>>, vector<512x128xbf16>
      tpu.vector_store %arg4[%swap3A_32, %swap3A_33], %convert_element_type3A_31 {strides = array<i32>} : memref<512x256xbf16, #tpu.memory_space<vmem>>, vector<512x128xbf16>,
      %slice3A_35 = vector.extract_strided_slice %convert_element_type3A {offsets = [0, 64], sizes = [512, 64], strides = [1, 1]} : vector<512x128xbf16> to vector<512x64xbf16>
      %swap3A_36 = arith.constant 0 : index
      %swap3A_37 = arith.constant 0 : index
      %swap3A_38 = vector.load %arg5[%swap3A_36, %swap3A_37] : memref<512x256xbf16, #tpu.memory_space<vmem>>, vector<512x64xbf16>
      tpu.vector_store %arg5[%swap3A_36, %swap3A_37], %slice3A_35 {strides = array<i32>} : memref<512x256xbf16, #tpu.memory_space<vmem>>, vector<512x64xbf16>,
      %convert_element_type3A_39 = arith.truncf %scan3A_21 : vector<512x128xf32> to vector<512x128xbf16>
      %swap3A_40 = arith.constant 0 : index
      %swap3A_41 = arith.constant 64 : index
      %swap3A_42 = vector.load %arg5[%swap3A_40, %swap3A_41] : memref<512x256xbf16, #tpu.memory_space<vmem>>, vector<512x128xbf16>
      tpu.vector_store %arg5[%swap3A_40, %swap3A_41], %convert_element_type3A_39 {strides = array<i32>} : memref<512x256xbf16, #tpu.memory_space<vmem>>, vector<512x128xbf16>,
      %get3A_43 = arith.constant 0 : index
      %get3A_44 = arith.constant 0 : index
      %get3A_45 = vector.load %arg4[%get3A_43, %get3A_44] : memref<512x256xbf16, #tpu.memory_space<vmem>>, vector<512x256xbf16>
      %get3A_46 = arith.constant 0 : index
      %get3A_47 = arith.constant 0 : index
      %get3A_48 = vector.load %arg2[%get3A_46, %get3A_47] : memref<256x512xbf16, #tpu.memory_space<vmem>>, vector<256x512xbf16>
      %dot_general3A = arith.constant dense<0.000000e+00> : vector<512x512xf32>
      %dot_general3A_49 = tpu.matmul %get3A_45, %get3A_48, %dot_general3A {dimension_numbers = #tpu.dot_dimension_numbers<[1], [0], [0], [1], [0, 0, 1, 1], [], []>, transpose_lhs_hint = false} : vector<512x256xbf16>, vector<256x512xbf16>, vector<512x512xf32> -> vector<512x512xf32>
      %get3A_50 = arith.constant 0 : index
      %get3A_51 = arith.constant 0 : index
      %get3A_52 = vector.load %arg5[%get3A_50, %get3A_51] : memref<512x256xbf16, #tpu.memory_space<vmem>>, vector<512x256xbf16>
      %get3A_53 = arith.constant 0 : index
      %get3A_54 = arith.constant 0 : index
      %get3A_55 = vector.load %arg2[%get3A_53, %get3A_54] : memref<256x512xbf16, #tpu.memory_space<vmem>>, vector<256x512xbf16>
      %dot_general3A_56 = arith.constant dense<0.000000e+00> : vector<512x512xf32>
      %dot_general3A_57 = tpu.matmul %get3A_52, %get3A_55, %dot_general3A_56 {dimension_numbers = #tpu.dot_dimension_numbers<[1], [0], [0], [1], [0, 0, 1, 1], [], []>, transpose_lhs_hint = false} : vector<512x256xbf16>, vector<256x512xbf16>, vector<512x512xf32> -> vector<512x512xf32>
      %slice3A_58 = vector.extract_strided_slice %dot_general3A_49 {offsets = [0, 0], sizes = [512, 128], strides = [1, 1]} : vector<512x512xf32> to vector<512x128xf32>
      %tanh3A = math.tanh %slice3A_58 : vector<512x128xf32>
      %mul3A = arith.constant 5.000000e-01 : f32
      %mul3A_59 = vector.broadcast %mul3A : f32 to vector<512x128xf32>
      %mul3A_60 = arith.mulf %mul3A_59, %tanh3A : vector<512x128xf32>
      %add3A = arith.constant 5.000000e-01 : f32
      %add3A_61 = vector.broadcast %add3A : f32 to vector<512x128xf32>
      %add3A_62 = arith.addf %mul3A_60, %add3A_61 : vector<512x128xf32>
      %slice3A_63 = vector.extract_strided_slice %dot_general3A_49 {offsets = [0, 128], sizes = [512, 128], strides = [1, 1]} : vector<512x512xf32> to vector<512x128xf32>
      %tanh3A_64 = math.tanh %slice3A_63 : vector<512x128xf32>
      %mul3A_65 = arith.constant 5.000000e-01 : f32
      %mul3A_66 = vector.broadcast %mul3A_65 : f32 to vector<512x128xf32>
      %mul3A_67 = arith.mulf %mul3A_66, %tanh3A_64 : vector<512x128xf32>
      %add3A_68 = arith.constant 5.000000e-01 : f32
      %add3A_69 = vector.broadcast %add3A_68 : f32 to vector<512x128xf32>
      %add3A_70 = arith.addf %mul3A_67, %add3A_69 : vector<512x128xf32>
      %slice3A_71 = vector.extract_strided_slice %dot_general3A_49 {offsets = [0, 256], sizes = [512, 128], strides = [1, 1]} : vector<512x512xf32> to vector<512x128xf32>
      %tanh3A_72 = math.tanh %slice3A_71 : vector<512x128xf32>
      %slice3A_73 = vector.extract_strided_slice %dot_general3A_49 {offsets = [0, 384], sizes = [512, 128], strides = [1, 1]} : vector<512x512xf32> to vector<512x128xf32>
      %tanh3A_74 = math.tanh %slice3A_73 : vector<512x128xf32>
      %mul3A_75 = arith.constant 5.000000e-01 : f32
      %mul3A_76 = vector.broadcast %mul3A_75 : f32 to vector<512x128xf32>
      %mul3A_77 = arith.mulf %mul3A_76, %tanh3A_74 : vector<512x128xf32>
      %add3A_78 = arith.constant 5.000000e-01 : f32
      %add3A_79 = vector.broadcast %add3A_78 : f32 to vector<512x128xf32>
      %add3A_80 = arith.addf %mul3A_77, %add3A_79 : vector<512x128xf32>
      %mul3A_81 = arith.mulf %add3A_70, %scan3A_22 : vector<512x128xf32>
      %mul3A_82 = arith.mulf %add3A_62, %tanh3A_72 : vector<512x128xf32>
      %add3A_83 = arith.addf %mul3A_81, %mul3A_82 : vector<512x128xf32>
      %tanh3A_84 = math.tanh %add3A_83 : vector<512x128xf32>
      %mul3A_85 = arith.mulf %add3A_80, %tanh3A_84 : vector<512x128xf32>
      %slice3A_86 = vector.extract_strided_slice %dot_general3A_57 {offsets = [0, 0], sizes = [512, 128], strides = [1, 1]} : vector<512x512xf32> to vector<512x128xf32>
      %tanh3A_87 = math.tanh %slice3A_86 : vector<512x128xf32>
      %mul3A_88 = arith.constant 5.000000e-01 : f32
      %mul3A_89 = vector.broadcast %mul3A_88 : f32 to vector<512x128xf32>
      %mul3A_90 = arith.mulf %mul3A_89, %tanh3A_87 : vector<512x128xf32>
      %add3A_91 = arith.constant 5.000000e-01 : f32
      %add3A_92 = vector.broadcast %add3A_91 : f32 to vector<512x128xf32>
      %add3A_93 = arith.addf %mul3A_90, %add3A_92 : vector<512x128xf32>
      %slice3A_94 = vector.extract_strided_slice %dot_general3A_57 {offsets = [0, 128], sizes = [512, 128], strides = [1, 1]} : vector<512x512xf32> to vector<512x128xf32>
      %tanh3A_95 = math.tanh %slice3A_94 : vector<512x128xf32>
      %mul3A_96 = arith.constant 5.000000e-01 : f32
      %mul3A_97 = vector.broadcast %mul3A_96 : f32 to vector<512x128xf32>
      %mul3A_98 = arith.mulf %mul3A_97, %tanh3A_95 : vector<512x128xf32>
      %add3A_99 = arith.constant 5.000000e-01 : f32
      %add3A_100 = vector.broadcast %add3A_99 : f32 to vector<512x128xf32>
      %add3A_101 = arith.addf %mul3A_98, %add3A_100 : vector<512x128xf32>
      %slice3A_102 = vector.extract_strided_slice %dot_general3A_57 {offsets = [0, 256], sizes = [512, 128], strides = [1, 1]} : vector<512x512xf32> to vector<512x128xf32>
      %tanh3A_103 = math.tanh %slice3A_102 : vector<512x128xf32>
      %slice3A_104 = vector.extract_strided_slice %dot_general3A_57 {offsets = [0, 384], sizes = [512, 128], strides = [1, 1]} : vector<512x512xf32> to vector<512x128xf32>
      %tanh3A_105 = math.tanh %slice3A_104 : vector<512x128xf32>
      %mul3A_106 = arith.constant 5.000000e-01 : f32
      %mul3A_107 = vector.broadcast %mul3A_106 : f32 to vector<512x128xf32>
      %mul3A_108 = arith.mulf %mul3A_107, %tanh3A_105 : vector<512x128xf32>
      %add3A_109 = arith.constant 5.000000e-01 : f32
      %add3A_110 = vector.broadcast %add3A_109 : f32 to vector<512x128xf32>
      %add3A_111 = arith.addf %mul3A_108, %add3A_110 : vector<512x128xf32>
      %mul3A_112 = arith.mulf %add3A_101, %scan3A_23 : vector<512x128xf32>
      %mul3A_113 = arith.mulf %add3A_93, %tanh3A_103 : vector<512x128xf32>
      %add3A_114 = arith.addf %mul3A_112, %mul3A_113 : vector<512x128xf32>
      %tanh3A_115 = math.tanh %add3A_114 : vector<512x128xf32>
      %mul3A_116 = arith.mulf %add3A_111, %tanh3A_115 : vector<512x128xf32>
      scf.yield %mul3A_85, %mul3A_116, %add3A_83, %add3A_114 : vector<512x128xf32>, vector<512x128xf32>, vector<512x128xf32>, vector<512x128xf32>
    }
    %scan3A_12 = arith.constant 50 : i32
    %swap3A_13 = arith.constant 0 : index
    %swap3A_14 = arith.constant 0 : index
    %swap3A_15 = vector.load %arg3[%swap3A_13, %swap3A_14] : memref<512x256xf32, #tpu.memory_space<vmem>>, vector<512x128xf32>
    tpu.vector_store %arg3[%swap3A_13, %swap3A_14], %scan3A_11#0 {strides = array<i32>} : memref<512x256xf32, #tpu.memory_space<vmem>>, vector<512x128xf32>,
    %swap3A_16 = arith.constant 0 : index
    %swap3A_17 = arith.constant 128 : index
    %swap3A_18 = vector.load %arg3[%swap3A_16, %swap3A_17] : memref<512x256xf32, #tpu.memory_space<vmem>>, vector<512x128xf32>
    tpu.vector_store %arg3[%swap3A_16, %swap3A_17], %scan3A_11#1 {strides = array<i32>} : memref<512x256xf32, #tpu.memory_space<vmem>>, vector<512x128xf32>,
    return
  }
  func.func @transform_0(%arg0: i32) -> (i32, i32, i32) {
    %c0_i32 = arith.constant 0 : i32
    %c0_i32_0 = arith.constant 0 : i32
    %c0_i32_1 = arith.constant 0 : i32
    return %c0_i32, %arg0, %c0_i32_0 : i32, i32, i32
  }
  func.func @transform_1(%arg0: i32) -> (i32, i32) {
    %c0_i32 = arith.constant 0 : i32
    %c0_i32_0 = arith.constant 0 : i32
    %c0_i32_1 = arith.constant 0 : i32
    return %c0_i32, %c0_i32_0 : i32, i32
  }
  func.func @transform_2(%arg0: i32) -> (i32, i32) {
    %c0_i32 = arith.constant 0 : i32
    %c0_i32_0 = arith.constant 0 : i32
    return %arg0, %c0_i32 : i32, i32
  }
}

</mosaic_0001>

<sc_bundles>
// kernel: kernel.6.cloned.1.call-start
scs
__scs_entry_jumppad:
0x0: {  	(pc) =	sbr.rel $0x88, $3  }
0x1: {  	(tag) =	ssettag $0x0;
	lr =	simm.s32 $0x1  }
0x2: {  	[smem:$0x3F9B] =	sst lr;
	_ =	strace $0xD0000000  }
0x3: {  	_ = 	snop  }
0x4: {  	_ = 	snop  }
0x5: {  	_ = 	snop  }
0x6: {  	_ = 	snop  }
0x7: {  	_ = 	snop  }
__scs_overlays_trampoline_lowered:
0x8: {  	[smem:$0x3FAA] =	sst s0  }
0x9: {  	[smem:$0x3FAB] =	sst s1  }
0xa: {  	[smem:$0x3FAC] =	sst s2  }
0xb: {  	[smem:$0x3FAD] =	sst s3  }
0xc: {  	[smem:$0x3FAE] =	sst s4  }
0xd: {  	[smem:$0x3FAF] =	sst s5  }
0xe: {  	[smem:$0x3FB0] =	sst s6  }
0xf: {  	[smem:$0x3FB1] =	sst s7  }
0x10: {  	[smem:$0x3FB2] =	sst s8  }
0x11: {  	[smem:$0x3FB3] =	sst s9;
	s0 =	simm.s32 @!p0 $0x0  }
0x12: {  	s1 =	sld [smem:$0x3F99];
	s0 =	simm.s32 @p0 $0x1  }
0x13: {  	[smem:$0x3FB4] =	sst s0;
	s0 =	simm.s32 @!p1 $0x0  }
0x14: {  	s2 =	sld [smem:$0x3F98];
	s0 =	simm.s32 @p1 $0x1  }
0x15: {  	[smem:$0x3FB5] =	sst s0;
	s0 =	simm.s32 @!p2 $0x0  }
0x16: {  	s3 =	sld [smem:$0x3FDB];
	s0 =	simm.s32 @p2 $0x1  }
0x17: {  	s4 =	simm.s32 $0x1BF5;
	[smem:$0x3FB7] =	sst s0  }
0x18: {  	s0 =	sld [smem:$0x3F9A];
	_ =	swait.ge [sflag:s4], $0x0  }
0x19: {  	s7 =	sld [smem:$0x3F9B]  }
0x1a: {  	s8 =	sadd.s32 $0xFFFFE003, lr  }
0x1b: {  	s9 =	sadd.s32 $0xFFFFFEF7, lr;
	s5 =	simm.s32 $0xFFFFFFFF;
	p2 =	slt.u32 s8, $0xFFFFF086  }
0x1c: {  	p1 =	slt.u32 s9, $0xF7A;
	s5 =	simm.s32 @!p2 $0x0  }
0x1d: {  	s5 =	simm.s32 @p1 $0x1;
	p0 =	seq.s32 s7, s2  }
0x1e: {  	s7 =	smul.u32 @!p0 $0xF7A, s2;
	p2 =	seq.s32 @!p0 s5, $0x0  }
0x1f: {  	s9 =	smul.u32 $0xF7A, s1;
	s8 =	simm.s32 @!p0 $0x1BF5;
	p2 =	por !p2, p0  }
0x20: {  	[sflag:s8] =	ssyncset.s32 @!p0 $0xFFFFF086;
	s6 =	sadd.s32 @!p0 s3, s7;
	s7 =	simm.s32 @!p0 $0x108  }
0x21: {  	s3 =	sadd.s32 s3, s9;
	s6 =	sadd.s32 @!p0 $0x88, s6;
	s7 =	simm.s32 @p2 $0x1082  }
0x22: {  	[simem:s7], [sflag:s8] =	dma.local @!p0 [hbm:s6], $0xF7A  }
0x23: {  	s9 =	sor.u32 $0xD0000000, s2;
	s6 =	simm.s32 $0x108;
	_ =	swait.ge @!p0 [sflag:s8], $0x0  }
0x24: {  	s3 =	sadd.s32 $0x88, s3;
	s6 =	simm.s32 @!p1 $0x1082;
	[sflag:s4] =	ssyncset.s32 $0xFFFFF086  }
0x25: {  	[simem:s6], [sflag:s4] =	dma.local [hbm:s3], $0xF7A  }
0x26: {  	[smem:$0x3F9B] =	sst s1;
	(tag) =	ssettag s2;
	_ =	strace s9  }
0x27: {  	s1 =	sld [smem:$0x3FAB]  }
0x28: {  	s2 =	sld [smem:$0x3FAC]  }
0x29: {  	s4 =	sld [smem:$0x3FAE]  }
0x2a: {  	p0 =	seq.s32 s5, $0x0;
	s5 =	sld [smem:$0x3FAF]  }
0x2b: {  	s6 =	sld [smem:$0x3FB0]  }
0x2c: {  	s7 =	sld [smem:$0x3FB1]  }
0x2d: {  	s3 =	simm.s32 $0x108;
	s8 =	sld [smem:$0x3FB2]  }
0x2e: {  	s3 =	simm.s32 @!p0 $0x1082;
	s9 =	sld [smem:$0x3FB3]  }
0x2f: {  	lr =	sadd.s32 s0, s3;
	s0 =	sld [smem:$0x3FAA]  }
0x30: {  	s3 =	sld [smem:$0x3FAD]  }
0x31: {  	[smem:$0x3FB6] =	sst s10  }
0x32: {  	s10 =	sld [smem:$0x3FB4];
	_ =	sdelay $0x3  }
0x33: {  	p0 =	seq.s32 s10, $0x1;
	s10 =	sld [smem:$0x3FB6];
	_ =	sdelay $0x3  }
0x34: {  	[smem:$0x3FB6] =	sst s10  }
0x35: {  	s10 =	sld [smem:$0x3FB5];
	_ =	sdelay $0x3  }
0x36: {  	p1 =	seq.s32 s10, $0x1;
	s10 =	sld [smem:$0x3FB6];
	_ =	sdelay $0x3  }
0x37: {  	[smem:$0x3FB6] =	sst s10  }
0x38: {  	s10 =	sld [smem:$0x3FB7]  }
0x39: {  	_ = 	snop;
	(pc) =	sbr.ind lr, $3  }
0x3a: {  	_ = 	snop  }
0x3b: {  	_ = 	snop  }
0x3c: {  	p2 =	seq.s32 s10, $0x1;
	s10 =	sld [smem:$0x3FB6]  }
0x3d: {  	_ =	shalt  }
0x3e: {  	_ =	shalt  }
0x3f: {  	_ =	shalt  }
0x40: {  	_ =	shalt  }
0x41: {  	_ =	shalt  }
0x42: {  	_ =	shalt  }
0x43: {  	_ =	shalt  }
0x44: {  	_ =	shalt  }
0x45: {  	_ =	shalt  }
0x46: {  	_ =	shalt  }
0x47: {  	_ =	shalt  }
0x48: {  	_ =	shalt  }
0x49: {  	_ =	shalt  }
0x4a: {  	_ =	shalt  }
0x4b: {  	_ =	shalt  }
0x4c: {  	_ =	shalt  }
0x4d: {  	_ =	shalt  }
0x4e: {  	_ =	shalt  }
0x4f: {  	_ =	shalt  }
0x50: {  	_ =	shalt  }
0x51: {  	_ =	shalt  }
0x52: {  	_ =	shalt  }
0x53: {  	_ =	shalt  }
0x54: {  	_ =	shalt  }
0x55: {  	_ =	shalt  }
0x56: {  	_ =	shalt  }
0x57: {  	_ =	shalt  }
0x58: {  	_ =	shalt  }
0x59: {  	_ =	shalt  }
0x5a: {  	_ =	shalt  }
0x5b: {  	_ =	shalt  }
0x5c: {  	_ =	shalt  }
0x5d: {  	_ =	shalt  }
0x5e: {  	_ =	shalt  }
0x5f: {  	_ =	shalt  }
0x60: {  	_ =	shalt  }
0x61: {  	_ =	shalt  }
0x62: {  	_ =	shalt  }
0x63: {  	_ =	shalt  }
0x64: {  	_ =	shalt  }
0x65: {  	_ =	shalt  }
0x66: {  	_ =	shalt  }
0x67: {  	_ =	shalt  }
0x68: {  	_ =	shalt  }
0x69: {  	_ =	shalt  }
0x6a: {  	_ =	shalt  }
0x6b: {  	_ =	shalt  }
0x6c: {  	_ =	shalt  }
0x6d: {  	_ =	shalt  }
0x6e: {  	_ =	shalt  }
0x6f: {  	_ =	shalt  }
0x70: {  	_ =	shalt  }
0x71: {  	_ =	shalt  }
0x72: {  	_ =	shalt  }
0x73: {  	_ =	shalt  }
0x74: {  	_ =	shalt  }
0x75: {  	_ =	shalt  }
0x76: {  	_ =	shalt  }
0x77: {  	_ =	shalt  }
0x78: {  	_ =	shalt  }
0x79: {  	_ =	shalt  }
0x7a: {  	_ =	shalt  }
0x7b: {  	_ =	shalt  }
0x7c: {  	_ =	shalt  }
0x7d: {  	_ =	shalt  }
0x7e: {  	_ =	shalt  }
0x7f: {  	_ =	shalt  }
0x80: {  	_ =	shalt  }
0x81: {  	_ =	shalt  }
0x82: {  	_ =	shalt  }
0x83: {  	_ =	shalt  }
0x84: {  	_ =	shalt  }
0x85: {  	_ =	shalt  }
0x86: {  	_ =	shalt  }
0x87: {  	_ =	shalt  }
.Lfunc_end0:
.L_simem_size_0:
called_computation_lowered:
.L_overlay_start_0:
0x88: {  	s2 =	sld [smem:$0x3FD9]  }
0x89: {  	s3 =	sld [smem:$0x3FFE];
	_ =	sdelay $0x1  }
0x8a: {  	s1 =	srdreg.scid  }
0x8b: {  	s0 =	sand.u32 $0x1, s1  }
0x8c: {  	s16 =	sshll.u32 s0, $0xA;
	s2 =	sadd.s32 s3, s2  }
0x8d: {  	s2 =	sadd.s32 s2, s16  }
0x8e: {  	[smem:$0x3FC2] =	sst s2  }
0x8f: {  	_ = 	snop  }
0x90: {  	(tm) =	ssettm $0x1  }
0x91: {  	s17 =	sld [smem:$0x3FFB];
	_ =	sdelay $0x3  }
0x92: {  	_ =	strace s17  }
0x93: {  	s2 =	sld [smem:$0x3FFC];
	_ =	sdelay $0x3  }
0x94: {  	_ =	strace s2  }
0x95: {  	s2 =	sld [smem:$0x3FFD];
	_ =	sdelay $0x3  }
0x96: {  	_ =	strace s2  }
0x97: {  	_ =	strace $0x8FFFFFFF  }
0x98: {  	s18 =	sld [smem:$0x3FDB];
	_ =	sdelay $0x1  }
0x99: {  	s19 =	simm.s32 $_scs_section_size  }
0x9a: {  	s4 =	simm.s32 $_size__tile_overlayer_lowered;
	s5 =	simm.s32 $_tile_overlayer_lowered  }
0x9b: {  	s22 =	simm.s32 $0x1BFF;
	s21 =	sshll.u32 s5, $0x1;
	s2 =	sadd.s32 s19, s18  }
0x9c: {  	s6 =	simm.s32 $0x0;
	s20 =	sshll.u32 s4, $0x1;
	s4 =	sadd.s32 s21, s2  }
0x9d: {  	[timem:s6], [sflag:s22] =	dma.local [hbm:s4], s20  }
0x9e: {  	_ =	swait.ge [sflag:s22], s20  }
0x9f: {  	s3 =	ssub.s32 $0x0, s20;
	[sflag:s22] =	ssyncset.done $0x0  }
0xa0: {  	[sflag:s22] =	ssyncadd.s32 s3;
	_ =	sdelay $0x1  }
0xa1: {  	s23 =	simm.s32 $0x1B8B  }
0xa2: {  	_ =	swait.ge [sflag:s23], $0x1  }
0xa3: {  	[sflag:s23] =	ssyncset.done $0x0  }
0xa4: {  	s25 =	simm.s32 $0x1B8E;
	s24 =	sld [smem:$0x3FFE];
	[sflag:s23] =	ssyncadd.s32 $0xFFFFFFFF  }
0xa5: {  	s26 =	simm.s32 $execute0_lowered;
	[smem:$0x3FD2] =	sst s25  }
0xa6: {  	s4 =	sshll.u32 s26, $0x1;
	_ =	strace $0x80000046;
	[dreg:$0x1] =	wrdreg $0xFFFFFFFF  }
0xa7: {  	s28 =	simm.s32 $_size_execute0_lowered;
	s2 =	sadd.s32 s2, s4;
	[dreg:$0x0] =	wrdreg $0x0  }
0xa8: {  	s4 =	sshll.u32 s28, $0x1;
	[dreg:$0x2] =	wrdreg s2  }
0xa9: {  	[dreg:$0x3] =	wrdreg s4  }
0xaa: {  	[dreg:$0x4] =	wrdreg $0xC0  }
0xab: {  	_ =	task [dreg:s6], $0x5FFFF  }
0xac: {  	[dreg:$0x1] =	wrdreg $0xFFFFFFFF  }
0xad: {  	[dreg:$0x0] =	wrdreg $0x60  }
0xae: {  	[dreg:$0x2] =	wrdreg s24  }
0xaf: {  	[dreg:$0x3] =	wrdreg $0x9  }
0xb0: {  	_ =	task.clear_ibuf [dreg:s6], $0x4FFFF;
	_ =	strace $0x90000046  }
0xb1: {  	s29 =	simm.s32 $0x9;
	_ =	strace $0x80000048  }
0xb2: {  	_ =	swait.ge [sflag:s29], $0x1  }
0xb3: {  	[sflag:s29] =	ssyncadd.s32 $0xFFFFFFFF  }
0xb4: {  	_ =	strace $0x90000048  }
0xb5: {  	_ =	sfence  }
0xb6: {  	s30 =	sld [smem:$0x0];
	_ =	sdelay $0x2  }
0xb7: {  	s31 =	sshll.u32 s1, $0xD;
	s1 =	sshrl.u32 s1, $0x2  }
0xb8: {  	s3 =	sand.u32 $0x4000, s31;
	s1 =	sadd.s32 s1, s30  }
0xb9: {  	s0 =	sor.u32 s3, s0;
	s1 =	sshll.u32 s1, $0x11  }
0xba: {  	s0 =	sor.u32 s1, s0  }
0xbb: {  	s0 =	sadd.s32 $0x8F2B, s0  }
0xbc: {  	[sflag:s0] =	ssyncadd.remote.s32 $0x1  }
0xbd: {  	_ =	sfence.sel $0xFFFF  }
0xbe: {  	[dreg:$0x0] =	wrdreg $0xFFFFFFFF;
	(pc) =	sbr.abs _section_cstart, $3  }
0xbf: {  	[dreg:$0x1] =	wrdreg $0xFFFFFFFF  }
0xc0: {  	_ =	task.clear_ibuf [dreg:s6], $0x2FFFF;
	_ =	strace $0x9FFFFFFF  }
0xc1: {  	(tm) =	ssettm $0x7FFFFFFF  }
tec
execute0_lowered:
.L_overlay_start_1:
0x0: {  	(tag) =	ssettag $0x1  }
0x1: {  	s10 =	rddreg [dreg:$0x0]  }
0x2: {  	s0 =	rddreg [dreg:$0x1]  }
0x3: {  	s3 =	srdreg.scid;
	s1 =	stileid.u32  }
0x4: {  	s2 =	simm.s32 $0x0;
	s13 =	simm.s32 $0x80;
	s14 =	simm.s32 $0x100  }
0x5: {  	s15 =	simm.s32 $0x1;
	s16 =	simm.s32 $0x4;
	s17 =	simm.s32 $0x2  }
0x6: {  	s18 =	simm.s32 $0x0;
	s3 =	sand.u32 $0x1, s3;
	s4 =	sshll.u32 s1, $0x1  }
0x7: {  	[smem:$0x7FF] =	sst s2;
	s5 =	sadd.s32 $0x18B200, s10;
	s6 =	sadd.s32 $0x1600, s10  }
.Ltmp0:
0x8: {  	s9 =	sor.u32 s3, s4;
	_ =	strace $0x80000047;
	(pc) =	sbr.rel .LBB2_1-.Ltmp0, $4  }
0x9: {  	s7 =	ssub.s32 $0x2, s3;
	s4 =	sadd.s32 $0x188000, s10;
	s11 =	smul.u32 $0x190, s9  }
0xa: {  	s10 =	sadd.s32 $0x1608, s10;
	s3 =	smul.u32 $0x19, s9;
	s8 =	sshrl.u32 s7, $0x1  }
0xb: {  	s9 =	smul.u32 $0x32000, s9;
	s12 =	ssub.s32 s7, s8;
	s7 =	sadd.s32 s4, s11  }
0xc: {  	s8 =	sadd.s32 $0x1, s3;
	s11 =	smax.u32 s12, $0x1;
	s12 =	simm.s32 $0x3  }
.LBB2_14:
0xd: {  	s18 =	sadd.s32 $0x1, s18  }
0xe: {  	p0 =	sne.s32 s18, s11  }
.Ltmp1:
0xf: {  	_ = 	snop;
	(pc) =	sbr.rel @!p0 .LBB2_15-.Ltmp1, $1  }
0x10: {  	_ =	sdelay $0x3  }
.LBB2_1:
0x11: {  	[tilespmem:s2], [sflag:$0x3] =	stream.linear.gather [hbm4b:s7+s2], $0x80, $0x38;
	[tilespmem:$0x8100] =	vst v63  }
.Ltmp2:
0x12: {  	_ = 	snop;
	(pc) =	sbr.rel .LBB2_2-.Ltmp2, $4  }
0x13: {  	_ =	swait.ge [sflag:s12], $0x80  }
0x14: {  	[sflag:s12] =	ssyncset.done $0x0  }
0x15: {  	s19 =	simm.s32 $0x0;
	[sflag:s12] =	ssyncadd.s32 $0xFFFFFF80  }
0x16: {  	[tilespmem:s14], [sflag:$0x1] =	stream.indirect.gather [hbm4b:s5+s13], $0x80, s2, s13, $0xb8;
	[tilespmem:$0x8100] =	vst v63  }
.LBB2_13:
0x17: {  	s19 =	sadd.s32 $0x1, s19  }
0x18: {  	p0 =	sne.s32 s19, $0x19  }
.Ltmp3:
0x19: {  	_ = 	snop;
	(pc) =	sbr.rel @!p0 .LBB2_14-.Ltmp3, $4  }
0x1a: {  	_ = 	snop  }
0x1b: {  	_ =	swait.ge [sflag:s20], $0x1000  }
0x1c: {  	[sflag:s20] =	ssyncset.done $0x0  }
0x1d: {  	[sflag:s20] =	ssyncadd.s32 $0xFFFFF000  }
.LBB2_2:
0x1e: {  	s20 =	sand.u32 $0x1, s19  }
0x1f: {  	p0 =	seq.s32 s20, $0x1  }
.Ltmp4:
0x20: {  	_ = 	snop;
	(pc) =	sbr.rel @p0 .LBB2_8-.Ltmp4, $1  }
0x21: {  	_ =	sdelay $0x3  }
0x22: {  	s20 =	sor.u32 $0x1, s19  }
0x23: {  	p0 =	sgt.u32 s20, $0x18  }
0x24: {  	s20 =	sadd.s32 @!p0 s3, s20  }
0x25: {  	s20 =	sshll.u32 @!p0 s20, $0x4  }
0x26: {  	s20 =	sand.u32 @!p0 $0x1FFFFFF0, s20  }
0x27: {  	s21 =	simm.s32 @!p0 $0x0;
	s22 =	simm.s32 @!p0 $0x80;
	s20 =	sadd.s32 @!p0 s4, s20  }
0x28: {  	[tilespmem:s22], [sflag:$0x4] =	stream.linear.gather @!p0 [hbm4b:s20+s21], $0x80, $0x38;
	[tilespmem:$0x8100] =	vst v63  }
0x29: {  	s20 =	simm.s32 @!p0 $0x4  }
0x2a: {  	_ =	swait.ge @!p0 [sflag:s20], $0x80  }
0x2b: {  	[sflag:s20] =	ssyncset.done @!p0 $0x0  }
0x2c: {  	s31 =	sshll.u32 s19, $0xD;
	[sflag:s20] =	ssyncadd.s32 @!p0 $0xFFFFFF80;
	s20 =	simm.s32 @!p0 $0x4100  }
0x2d: {  	[tilespmem:s20], [sflag:$0x2] =	stream.indirect.gather @!p0 [hbm4b:s5+s22], $0x80, s22, s22, $0xb8;
	[tilespmem:$0x8100] =	vst v63  }
0x2e: {  	s20 =	sadd.s32 s9, s31  }
0x2f: {  	s23 =	simm.s32 $0x10;
	_ =	swait.ge [sflag:s15], $0x4000;
	s20 =	sshrl.u32 s20, $0x3  }
0x30: {  	s24 =	simm.s32 $0x180;
	[sflag:s15] =	ssyncset.done $0x0;
	s21 =	sadd.s32 s6, s20  }
0x31: {  	s22 =	simm.s32 $0x100;
	[sflag:s15] =	ssyncadd.s32 $0xFFFFC000;
	s25 =	sadd.s32 $0x0, s21  }
.LBB2_4:
0x32: {  	[hbm4b:s25+s2] =	stream.linear.scatter [tilespmem:s22], [sflag:$0x4], $0x40, $0x38;
	[tilespmem:$0x8100] =	vst v63  }
0x33: {  	s25 =	smov.u32 s23;
	s22 =	smov.u32 s24;
	p0 =	sne.s32 s23, $0x3F0  }
.Ltmp5:
0x34: {  	s23 =	sadd.s32 $0x10, s23;
	(pc) =	sbr.rel @p0 .LBB2_4-.Ltmp5, $2  }
0x35: {  	_ =	sdelay $0x2  }
0x36: {  	s24 =	sadd.s32 $0x80, s24;
	s25 =	sadd.s32 s25, s21  }
0x37: {  	[hbm4b:s25+s2] =	stream.linear.scatter [tilespmem:s22], [sflag:$0x4], $0x40, $0x38;
	[tilespmem:$0x8100] =	vst v63  }
0x38: {  	_ =	swait.ge [sflag:s16], $0x1000  }
0x39: {  	s20 =	sadd.s32 s20, s10;
	[sflag:s16] =	ssyncset.done $0x0  }
0x3a: {  	s21 =	simm.s32 $0x0;
	s22 =	simm.s32 $0x2100;
	[sflag:s16] =	ssyncadd.s32 $0xFFFFF000  }
.LBB2_6:
0x3b: {  	p0 =	seq.s32 s21, $0x3F0  }
.Ltmp6:
0x3c: {  	_ = 	snop;
	(pc) =	sbr.rel @!p0 .LBB2_6-.Ltmp6, $4  }
0x3d: {  	_ = 	snop  }
0x3e: {  	s23 =	sadd.s32 s21, s20  }
0x3f: {  	[hbm4b:s23+s2] =	stream.linear.scatter [tilespmem:s22], [sflag:$0x4], $0x40, $0x38;
	[tilespmem:$0x8100] =	vst v63  }
0x40: {  	s21 =	sadd.s32 $0x10, s21;
	s22 =	sadd.s32 $0x80, s22  }
.Ltmp7:
0x41: {  	(pc) =	sbr.rel .LBB2_13-.Ltmp7, $2  }
0x42: {  	_ =	sdelay $0x2  }
0x43: {  	s20 =	simm.s32 $0x4  }
.LBB2_8:
0x44: {  	s20 =	sadd.s32 s19, s8  }
0x45: {  	s20 =	sshll.u32 s20, $0x4  }
0x46: {  	s20 =	sand.u32 $0x1FFFFFF0, s20  }
0x47: {  	s21 =	simm.s32 $0x0;
	s20 =	sadd.s32 s4, s20  }
0x48: {  	[tilespmem:s21], [sflag:$0x4] =	stream.linear.gather [hbm4b:s20+s21], $0x80, $0x38;
	[tilespmem:$0x8100] =	vst v63  }
0x49: {  	_ =	swait.ge [sflag:s16], $0x80  }
0x4a: {  	s31 =	sshll.u32 s19, $0xD;
	[sflag:s16] =	ssyncset.done $0x0  }
0x4b: {  	s20 =	sadd.s32 s9, s31;
	[sflag:s16] =	ssyncadd.s32 $0xFFFFFF80  }
0x4c: {  	[tilespmem:s14], [sflag:$0x1] =	stream.indirect.gather [hbm4b:s5+s13], $0x80, s21, s13, $0xb8;
	[tilespmem:$0x8100] =	vst v63  }
0x4d: {  	s22 =	simm.s32 $0x4100;
	s20 =	sshrl.u32 s20, $0x3;
	_ =	swait.ge [sflag:s17], $0x4000  }
0x4e: {  	s23 =	simm.s32 $0x10;
	s21 =	sadd.s32 s6, s20;
	[sflag:s17] =	ssyncset.done $0x0  }
0x4f: {  	s24 =	simm.s32 $0x4180;
	s25 =	sadd.s32 $0x0, s21;
	[sflag:s17] =	ssyncadd.s32 $0xFFFFC000  }
.LBB2_9:
0x50: {  	[hbm4b:s25+s2] =	stream.linear.scatter [tilespmem:s22], [sflag:$0x4], $0x40, $0x38;
	[tilespmem:$0x8100] =	vst v63  }
0x51: {  	s25 =	smov.u32 s23;
	s22 =	smov.u32 s24;
	p0 =	sne.s32 s23, $0x3F0  }
.Ltmp8:
0x52: {  	s23 =	sadd.s32 $0x10, s23;
	(pc) =	sbr.rel @p0 .LBB2_9-.Ltmp8, $2  }
0x53: {  	_ =	sdelay $0x2  }
0x54: {  	s24 =	sadd.s32 $0x80, s24;
	s25 =	sadd.s32 s25, s21  }
0x55: {  	[hbm4b:s25+s2] =	stream.linear.scatter [tilespmem:s22], [sflag:$0x4], $0x40, $0x38;
	[tilespmem:$0x8100] =	vst v63  }
0x56: {  	_ =	swait.ge [sflag:s16], $0x1000  }
0x57: {  	s20 =	sadd.s32 s20, s10;
	[sflag:s16] =	ssyncset.done $0x0  }
0x58: {  	s21 =	simm.s32 $0x0;
	s22 =	simm.s32 $0x6100;
	[sflag:s16] =	ssyncadd.s32 $0xFFFFF000  }
.LBB2_11:
0x59: {  	p0 =	sne.s32 s21, $0x3F0  }
.Ltmp9:
0x5a: {  	_ = 	snop;
	(pc) =	sbr.rel @p0 .LBB2_11-.Ltmp9, $4  }
0x5b: {  	_ = 	snop  }
0x5c: {  	s23 =	sadd.s32 s21, s20  }
0x5d: {  	[hbm4b:s23+s2] =	stream.linear.scatter [tilespmem:s22], [sflag:$0x3], $0x40, $0x38;
	[tilespmem:$0x8100] =	vst v63  }
0x5e: {  	s21 =	sadd.s32 $0x10, s21;
	s22 =	sadd.s32 $0x80, s22  }
.Ltmp10:
0x5f: {  	(pc) =	sbr.rel .LBB2_13-.Ltmp10, $2  }
0x60: {  	_ =	sdelay $0x2  }
0x61: {  	s20 =	simm.s32 $0x3  }
.LBB2_15:
0x62: {  	_ =	sfence.sel $0x180000  }
0x63: {  	[bflag:$0x0] =	sbarrier.arrive $0xFFFF  }
0x64: {  	p0 =	sne.s32 s1, $0x0;
	_ =	strace $0x90000047  }
0x65: {  	s0 =	sadd.s32 @!p0 $0x100000, s0;
	[bflag:$0x2] =	sbarrier.arrive $0xFFFF  }
0x66: {  	[sflag:s0] =	ssyncadd.tile.s32 @!p0 $0x1;
	_ =	shalt  }
.Lfunc_end2:
_tile_overlayer_lowered:
.L_overlay_start_2:
0x67: {  	(tag) =	ssettag $0x2  }
0x68: {  	s0 =	rddreg [dreg:$0x0];
	s2 =	stileid.u32  }
0x69: {  	s1 =	rddreg [dreg:$0x1];
	p0 =	sne.s32 s2, $0x0  }
0x6a: {  	s3 =	rddreg [dreg:$0x2];
	[bflag:$0x3] =	sbarrier.arrive $0xFFFF;
	s2 =	simm.s32 @!p0 $0x1C03  }
0x6b: {  	[timem:s3], [sflag:s2] =	dma.local @!p0 [hbm:s0], s1  }
0x6c: {  	s0 =	simm.s32 @!p0 $0x3  }
0x6d: {  	_ =	swait.ge @!p0 [sflag:s0], s1  }
0x6e: {  	s1 =	ssub.s32 @!p0 $0x0, s1;
	[sflag:s0] =	ssyncset.done @!p0 $0x0  }
0x6f: {  	[sflag:s0] =	ssyncadd.s32 @!p0 s1  }
0x70: {  	[bflag:$0x3] =	sbarrier.arrive $0xFFFF  }
0x71: {  	_ =	shalt  }

// kernel: kernel.9.cloned.1.call-start
scs
__scs_entry_jumppad:
0x0: {  	(pc) =	sbr.rel $0x88, $3  }
0x1: {  	(tag) =	ssettag $0x0;
	lr =	simm.s32 $0x1  }
0x2: {  	[smem:$0x3F9B] =	sst lr;
	_ =	strace $0xD0000000  }
0x3: {  	_ = 	snop  }
0x4: {  	_ = 	snop  }
0x5: {  	_ = 	snop  }
0x6: {  	_ = 	snop  }
0x7: {  	_ = 	snop  }
__scs_overlays_trampoline_lowered:
0x8: {  	[smem:$0x3FAA] =	sst s0  }
0x9: {  	[smem:$0x3FAB] =	sst s1  }
0xa: {  	[smem:$0x3FAC] =	sst s2  }
0xb: {  	[smem:$0x3FAD] =	sst s3  }
0xc: {  	[smem:$0x3FAE] =	sst s4  }
0xd: {  	[smem:$0x3FAF] =	sst s5  }
0xe: {  	[smem:$0x3FB0] =	sst s6  }
0xf: {  	[smem:$0x3FB1] =	sst s7  }
0x10: {  	[smem:$0x3FB2] =	sst s8  }
0x11: {  	[smem:$0x3FB3] =	sst s9;
	s0 =	simm.s32 @!p0 $0x0  }
0x12: {  	s1 =	sld [smem:$0x3F99];
	s0 =	simm.s32 @p0 $0x1  }
0x13: {  	[smem:$0x3FB4] =	sst s0;
	s0 =	simm.s32 @!p1 $0x0  }
0x14: {  	s2 =	sld [smem:$0x3F98];
	s0 =	simm.s32 @p1 $0x1  }
0x15: {  	[smem:$0x3FB5] =	sst s0;
	s0 =	simm.s32 @!p2 $0x0  }
0x16: {  	s3 =	sld [smem:$0x3FDB];
	s0 =	simm.s32 @p2 $0x1  }
0x17: {  	s4 =	simm.s32 $0x1BF5;
	[smem:$0x3FB7] =	sst s0  }
0x18: {  	s0 =	sld [smem:$0x3F9A];
	_ =	swait.ge [sflag:s4], $0x0  }
0x19: {  	s7 =	sld [smem:$0x3F9B]  }
0x1a: {  	s8 =	sadd.s32 $0xFFFFE003, lr  }
0x1b: {  	s9 =	sadd.s32 $0xFFFFFEF7, lr;
	s5 =	simm.s32 $0xFFFFFFFF;
	p2 =	slt.u32 s8, $0xFFFFF086  }
0x1c: {  	p1 =	slt.u32 s9, $0xF7A;
	s5 =	simm.s32 @!p2 $0x0  }
0x1d: {  	s5 =	simm.s32 @p1 $0x1;
	p0 =	seq.s32 s7, s2  }
0x1e: {  	s7 =	smul.u32 @!p0 $0xF7A, s2;
	p2 =	seq.s32 @!p0 s5, $0x0  }
0x1f: {  	s9 =	smul.u32 $0xF7A, s1;
	s8 =	simm.s32 @!p0 $0x1BF5;
	p2 =	por !p2, p0  }
0x20: {  	[sflag:s8] =	ssyncset.s32 @!p0 $0xFFFFF086;
	s6 =	sadd.s32 @!p0 s3, s7;
	s7 =	simm.s32 @!p0 $0x108  }
0x21: {  	s3 =	sadd.s32 s3, s9;
	s6 =	sadd.s32 @!p0 $0x88, s6;
	s7 =	simm.s32 @p2 $0x1082  }
0x22: {  	[simem:s7], [sflag:s8] =	dma.local @!p0 [hbm:s6], $0xF7A  }
0x23: {  	s9 =	sor.u32 $0xD0000000, s2;
	s6 =	simm.s32 $0x108;
	_ =	swait.ge @!p0 [sflag:s8], $0x0  }
0x24: {  	s3 =	sadd.s32 $0x88, s3;
	s6 =	simm.s32 @!p1 $0x1082;
	[sflag:s4] =	ssyncset.s32 $0xFFFFF086  }
0x25: {  	[simem:s6], [sflag:s4] =	dma.local [hbm:s3], $0xF7A  }
0x26: {  	[smem:$0x3F9B] =	sst s1;
	(tag) =	ssettag s2;
	_ =	strace s9  }
0x27: {  	s1 =	sld [smem:$0x3FAB]  }
0x28: {  	s2 =	sld [smem:$0x3FAC]  }
0x29: {  	s4 =	sld [smem:$0x3FAE]  }
0x2a: {  	p0 =	seq.s32 s5, $0x0;
	s5 =	sld [smem:$0x3FAF]  }
0x2b: {  	s6 =	sld [smem:$0x3FB0]  }
0x2c: {  	s7 =	sld [smem:$0x3FB1]  }
0x2d: {  	s3 =	simm.s32 $0x108;
	s8 =	sld [smem:$0x3FB2]  }
0x2e: {  	s3 =	simm.s32 @!p0 $0x1082;
	s9 =	sld [smem:$0x3FB3]  }
0x2f: {  	lr =	sadd.s32 s0, s3;
	s0 =	sld [smem:$0x3FAA]  }
0x30: {  	s3 =	sld [smem:$0x3FAD]  }
0x31: {  	[smem:$0x3FB6] =	sst s10  }
0x32: {  	s10 =	sld [smem:$0x3FB4];
	_ =	sdelay $0x3  }
0x33: {  	p0 =	seq.s32 s10, $0x1;
	s10 =	sld [smem:$0x3FB6];
	_ =	sdelay $0x3  }
0x34: {  	[smem:$0x3FB6] =	sst s10  }
0x35: {  	s10 =	sld [smem:$0x3FB5];
	_ =	sdelay $0x3  }
0x36: {  	p1 =	seq.s32 s10, $0x1;
	s10 =	sld [smem:$0x3FB6];
	_ =	sdelay $0x3  }
0x37: {  	[smem:$0x3FB6] =	sst s10  }
0x38: {  	s10 =	sld [smem:$0x3FB7]  }
0x39: {  	_ = 	snop;
	(pc) =	sbr.ind lr, $3  }
0x3a: {  	_ = 	snop  }
0x3b: {  	_ = 	snop  }
0x3c: {  	p2 =	seq.s32 s10, $0x1;
	s10 =	sld [smem:$0x3FB6]  }
0x3d: {  	_ =	shalt  }
0x3e: {  	_ =	shalt  }
0x3f: {  	_ =	shalt  }
0x40: {  	_ =	shalt  }
0x41: {  	_ =	shalt  }
0x42: {  	_ =	shalt  }
0x43: {  	_ =	shalt  }
0x44: {  	_ =	shalt  }
0x45: {  	_ =	shalt  }
0x46: {  	_ =	shalt  }
0x47: {  	_ =	shalt  }
0x48: {  	_ =	shalt  }
0x49: {  	_ =	shalt  }
0x4a: {  	_ =	shalt  }
0x4b: {  	_ =	shalt  }
0x4c: {  	_ =	shalt  }
0x4d: {  	_ =	shalt  }
0x4e: {  	_ =	shalt  }
0x4f: {  	_ =	shalt  }
0x50: {  	_ =	shalt  }
0x51: {  	_ =	shalt  }
0x52: {  	_ =	shalt  }
0x53: {  	_ =	shalt  }
0x54: {  	_ =	shalt  }
0x55: {  	_ =	shalt  }
0x56: {  	_ =	shalt  }
0x57: {  	_ =	shalt  }
0x58: {  	_ =	shalt  }
0x59: {  	_ =	shalt  }
0x5a: {  	_ =	shalt  }
0x5b: {  	_ =	shalt  }
0x5c: {  	_ =	shalt  }
0x5d: {  	_ =	shalt  }
0x5e: {  	_ =	shalt  }
0x5f: {  	_ =	shalt  }
0x60: {  	_ =	shalt  }
0x61: {  	_ =	shalt  }
0x62: {  	_ =	shalt  }
0x63: {  	_ =	shalt  }
0x64: {  	_ =	shalt  }
0x65: {  	_ =	shalt  }
0x66: {  	_ =	shalt  }
0x67: {  	_ =	shalt  }
0x68: {  	_ =	shalt  }
0x69: {  	_ =	shalt  }
0x6a: {  	_ =	shalt  }
0x6b: {  	_ =	shalt  }
0x6c: {  	_ =	shalt  }
0x6d: {  	_ =	shalt  }
0x6e: {  	_ =	shalt  }
0x6f: {  	_ =	shalt  }
0x70: {  	_ =	shalt  }
0x71: {  	_ =	shalt  }
0x72: {  	_ =	shalt  }
0x73: {  	_ =	shalt  }
0x74: {  	_ =	shalt  }
0x75: {  	_ =	shalt  }
0x76: {  	_ =	shalt  }
0x77: {  	_ =	shalt  }
0x78: {  	_ =	shalt  }
0x79: {  	_ =	shalt  }
0x7a: {  	_ =	shalt  }
0x7b: {  	_ =	shalt  }
0x7c: {  	_ =	shalt  }
0x7d: {  	_ =	shalt  }
0x7e: {  	_ =	shalt  }
0x7f: {  	_ =	shalt  }
0x80: {  	_ =	shalt  }
0x81: {  	_ =	shalt  }
0x82: {  	_ =	shalt  }
0x83: {  	_ =	shalt  }
0x84: {  	_ =	shalt  }
0x85: {  	_ =	shalt  }
0x86: {  	_ =	shalt  }
0x87: {  	_ =	shalt  }
.Lfunc_end0:
.L_simem_size_0:
called_computation.1_lowered:
.L_overlay_start_0:
0x88: {  	s2 =	sld [smem:$0x3FD9]  }
0x89: {  	s3 =	sld [smem:$0x3FFE];
	_ =	sdelay $0x1  }
0x8a: {  	s1 =	srdreg.scid  }
0x8b: {  	s0 =	sand.u32 $0x1, s1  }
0x8c: {  	s17 =	sshll.u32 s0, $0xA;
	s2 =	sadd.s32 s3, s2  }
0x8d: {  	s2 =	sadd.s32 s2, s17  }
0x8e: {  	[smem:$0x3FC2] =	sst s2  }
0x8f: {  	_ = 	snop  }
0x90: {  	s18 =	sld [smem:$0x3FD0];
	(tm) =	ssettm $0x1  }
0x91: {  	s19 =	sld [smem:$0x3FFB];
	_ =	sdelay $0x3  }
0x92: {  	_ =	strace s19  }
0x93: {  	s2 =	sld [smem:$0x3FFC];
	_ =	sdelay $0x3  }
0x94: {  	_ =	strace s2  }
0x95: {  	s2 =	sld [smem:$0x3FFD];
	_ =	sdelay $0x3  }
0x96: {  	_ =	strace s2  }
0x97: {  	_ =	strace $0x8FFFFFFF  }
0x98: {  	s20 =	sld [smem:$0x3FDB];
	_ =	sdelay $0x1  }
0x99: {  	s4 =	simm.s32 $_scs_section_size  }
0x9a: {  	s5 =	simm.s32 $_size__tile_overlayer_lowered;
	s6 =	simm.s32 $_tile_overlayer_lowered  }
0x9b: {  	s7 =	simm.s32 $0x1BFF;
	s21 =	sshll.u32 s6, $0x1;
	s4 =	sadd.s32 s4, s20  }
0x9c: {  	s22 =	simm.s32 $0x0;
	s5 =	sshll.u32 s5, $0x1;
	s6 =	sadd.s32 s21, s4  }
0x9d: {  	[timem:s22], [sflag:s7] =	dma.local [hbm:s6], s5  }
0x9e: {  	_ =	swait.ge [sflag:s7], s5  }
0x9f: {  	s5 =	ssub.s32 $0x0, s5;
	[sflag:s7] =	ssyncset.done $0x0  }
0xa0: {  	[sflag:s7] =	ssyncadd.s32 s5;
	_ =	sdelay $0x1  }
0xa1: {  	s23 =	simm.s32 $0x1B8B  }
0xa2: {  	_ =	swait.ge [sflag:s23], $0x1  }
0xa3: {  	[sflag:s23] =	ssyncset.done $0x0  }
0xa4: {  	[sflag:s23] =	ssyncadd.s32 $0xFFFFFFFF  }
0xa5: {  	s5 =	sld [smem:$0x0]  }
0xa6: {  	s6 =	sand.u32 $0xFFFFFFFE, s1  }
0xa7: {  	p0 =	sne.s32 s1, s6  }
0xa8: {  	s6 =	sshll.u32 @p0 s6, $0xE  }
0xa9: {  	s6 =	sadd.s32 @p0 $0x11B8D, s6;
	s7 =	sshll.u32 @p0 s5, $0x11  }
0xaa: {  	s6 =	sor.u32 @p0 s7, s6  }
0xab: {  	[sflag:s6] =	ssyncadd.remote.s32 @p0 $0x1;
	_ =	sdelay $0x1  }
0xac: {  	s6 =	simm.s32 @p0 $0x1B8D  }
0xad: {  	_ =	swait.eq @p0 [sflag:s6], $0x1  }
0xae: {  	[sflag:s6] =	ssyncadd.s32 @p0 $0xFFFFFFFF  }
0xaf: {  	s7 =	sshll.u32 @!p0 s1, $0xE  }
0xb0: {  	s7 =	sor.u32 @!p0 $0x4000, s7;
	s6 =	simm.s32 @!p0 $0x1B8D  }
0xb1: {  	s5 =	sshll.u32 @!p0 s5, $0x11;
	s7 =	sadd.s32 @!p0 $0x11B8D, s7;
	_ =	swait.eq @!p0 [sflag:s6], $0x1  }
0xb2: {  	s5 =	sor.u32 @!p0 s5, s7;
	[sflag:s6] =	ssyncadd.s32 @!p0 $0xFFFFFFFF  }
0xb3: {  	s25 =	simm.s32 $0x1B8E;
	s24 =	sld [smem:$0x3FFE];
	[sflag:s5] =	ssyncadd.remote.s32 @!p0 $0x1  }
0xb4: {  	s26 =	simm.s32 $execute0_lowered;
	[smem:$0x3FD2] =	sst s25  }
0xb5: {  	s6 =	sshll.u32 s26, $0x1;
	_ =	strace $0x80000049;
	[dreg:$0x1] =	wrdreg $0xFFFFFFFF  }
0xb6: {  	s28 =	simm.s32 $_size_execute0_lowered;
	s4 =	sadd.s32 s4, s6;
	[dreg:$0x0] =	wrdreg $0x0  }
0xb7: {  	s6 =	sshll.u32 s28, $0x1;
	[dreg:$0x2] =	wrdreg s4  }
0xb8: {  	[dreg:$0x3] =	wrdreg s6  }
0xb9: {  	[dreg:$0x4] =	wrdreg $0xC0  }
0xba: {  	_ =	task [dreg:s22], $0x5FFFF  }
0xbb: {  	[dreg:$0x1] =	wrdreg $0xFFFFFFFF  }
0xbc: {  	[dreg:$0x0] =	wrdreg $0x60  }
0xbd: {  	[dreg:$0x2] =	wrdreg s18  }
0xbe: {  	[dreg:$0x3] =	wrdreg s24  }
0xbf: {  	[dreg:$0x4] =	wrdreg $0xA  }
0xc0: {  	_ =	task.clear_ibuf [dreg:s22], $0x5FFFF;
	_ =	strace $0x90000049  }
0xc1: {  	s29 =	simm.s32 $0xA;
	_ =	strace $0x8000004B  }
0xc2: {  	_ =	swait.ge [sflag:s29], $0x1  }
0xc3: {  	[sflag:s29] =	ssyncadd.s32 $0xFFFFFFFF  }
0xc4: {  	_ =	strace $0x9000004B  }
0xc5: {  	_ =	sfence  }
0xc6: {  	s30 =	sld [smem:$0x0];
	_ =	sdelay $0x2  }
0xc7: {  	s31 =	sshll.u32 s1, $0xD;
	s1 =	sshrl.u32 s1, $0x2  }
0xc8: {  	s4 =	sand.u32 $0x4000, s31;
	s1 =	sadd.s32 s1, s30  }
0xc9: {  	s0 =	sor.u32 s4, s0;
	s1 =	sshll.u32 s1, $0x11  }
0xca: {  	s0 =	sor.u32 s1, s0  }
0xcb: {  	s0 =	sadd.s32 $0x8F2B, s0  }
0xcc: {  	[sflag:s0] =	ssyncadd.remote.s32 $0x1  }
0xcd: {  	_ =	sfence.sel $0xFFFF  }
0xce: {  	[dreg:$0x0] =	wrdreg $0xFFFFFFFF;
	(pc) =	sbr.abs _section_cstart, $3  }
0xcf: {  	[dreg:$0x1] =	wrdreg $0xFFFFFFFF  }
0xd0: {  	_ =	task.clear_ibuf [dreg:s22], $0x2FFFF;
	_ =	strace $0x9FFFFFFF  }
0xd1: {  	(tm) =	ssettm $0x7FFFFFFF  }
tec
execute0_lowered:
.L_overlay_start_1:
0x0: {  	(tag) =	ssettag $0x1  }
0x1: {  	s2 =	rddreg [dreg:$0x0];
	s1 =	srdreg.scid  }
0x2: {  	s0 =	stileid.u32;
	s10 =	rddreg [dreg:$0x1]  }
0x3: {  	s3 =	simm.s32 $0x0;
	s13 =	simm.s32 $0x80;
	s14 =	simm.s32 $0x100  }
0x4: {  	s15 =	simm.s32 $0x1;
	s16 =	simm.s32 $0x4;
	s17 =	simm.s32 $0x2  }
0x5: {  	s18 =	simm.s32 $0x0;
	s4 =	sand.u32 $0x1, s1;
	s1 =	rddreg [dreg:$0x2]  }
0x6: {  	s5 =	sshll.u32 s0, $0x1;
	[smem:$0x7FF] =	sst s3;
	s6 =	sadd.s32 $0x311C00, s10  }
.Ltmp0:
0x7: {  	s9 =	sor.u32 s4, s5;
	_ =	strace $0x8000004A;
	(pc) =	sbr.rel .LBB2_1-.Ltmp0, $4  }
0x8: {  	s7 =	ssub.s32 $0x2, s4;
	s5 =	sadd.s32 $0x18B200, s10;
	s11 =	smul.u32 $0x190, s9  }
0x9: {  	s10 =	sadd.s32 $0x311C08, s10;
	s4 =	smul.u32 $0x19, s9;
	s8 =	sshrl.u32 s7, $0x1  }
0xa: {  	s9 =	smul.u32 $0x32000, s9;
	s12 =	ssub.s32 s7, s8;
	s7 =	sadd.s32 s2, s11  }
0xb: {  	s8 =	sadd.s32 $0x1, s4;
	s11 =	smax.u32 s12, $0x1;
	s12 =	simm.s32 $0x3  }
.LBB2_14:
0xc: {  	s18 =	sadd.s32 $0x1, s18  }
0xd: {  	p0 =	sne.s32 s18, s11  }
.Ltmp1:
0xe: {  	_ = 	snop;
	(pc) =	sbr.rel @!p0 .LBB2_15-.Ltmp1, $1  }
0xf: {  	_ =	sdelay $0x3  }
.LBB2_1:
0x10: {  	[tilespmem:s3], [sflag:$0x3] =	stream.linear.gather [hbm4b:s7+s3], $0x80, $0x38;
	[tilespmem:$0x8100] =	vst v63  }
.Ltmp2:
0x11: {  	_ = 	snop;
	(pc) =	sbr.rel .LBB2_2-.Ltmp2, $4  }
0x12: {  	_ =	swait.ge [sflag:s12], $0x80  }
0x13: {  	[sflag:s12] =	ssyncset.done $0x0  }
0x14: {  	s19 =	simm.s32 $0x0;
	[sflag:s12] =	ssyncadd.s32 $0xFFFFFF80  }
0x15: {  	[tilespmem:s14], [sflag:$0x1] =	stream.indirect.gather [hbm4b:s5+s13], $0x80, s3, s13, $0xb8;
	[tilespmem:$0x8100] =	vst v63  }
.LBB2_13:
0x16: {  	s19 =	sadd.s32 $0x1, s19  }
0x17: {  	p0 =	sne.s32 s19, $0x19  }
.Ltmp3:
0x18: {  	_ = 	snop;
	(pc) =	sbr.rel @!p0 .LBB2_14-.Ltmp3, $4  }
0x19: {  	_ = 	snop  }
0x1a: {  	_ =	swait.ge [sflag:s20], $0x1000  }
0x1b: {  	[sflag:s20] =	ssyncset.done $0x0  }
0x1c: {  	[sflag:s20] =	ssyncadd.s32 $0xFFFFF000  }
.LBB2_2:
0x1d: {  	s20 =	sand.u32 $0x1, s19  }
0x1e: {  	p0 =	seq.s32 s20, $0x1  }
.Ltmp4:
0x1f: {  	_ = 	snop;
	(pc) =	sbr.rel @p0 .LBB2_8-.Ltmp4, $1  }
0x20: {  	_ =	sdelay $0x3  }
0x21: {  	s20 =	sor.u32 $0x1, s19  }
0x22: {  	p0 =	sgt.u32 s20, $0x18  }
0x23: {  	s20 =	sadd.s32 @!p0 s4, s20  }
0x24: {  	s20 =	sshll.u32 @!p0 s20, $0x4  }
0x25: {  	s20 =	sand.u32 @!p0 $0x1FFFFFF0, s20  }
0x26: {  	s21 =	simm.s32 @!p0 $0x0;
	s22 =	simm.s32 @!p0 $0x80;
	s20 =	sadd.s32 @!p0 s2, s20  }
0x27: {  	[tilespmem:s22], [sflag:$0x4] =	stream.linear.gather @!p0 [hbm4b:s20+s21], $0x80, $0x38;
	[tilespmem:$0x8100] =	vst v63  }
0x28: {  	s20 =	simm.s32 @!p0 $0x4  }
0x29: {  	_ =	swait.ge @!p0 [sflag:s20], $0x80  }
0x2a: {  	[sflag:s20] =	ssyncset.done @!p0 $0x0  }
0x2b: {  	s31 =	sshll.u32 s19, $0xD;
	[sflag:s20] =	ssyncadd.s32 @!p0 $0xFFFFFF80;
	s20 =	simm.s32 @!p0 $0x4100  }
0x2c: {  	[tilespmem:s20], [sflag:$0x2] =	stream.indirect.gather @!p0 [hbm4b:s5+s22], $0x80, s22, s22, $0xb8;
	[tilespmem:$0x8100] =	vst v63  }
0x2d: {  	s20 =	sadd.s32 s9, s31  }
0x2e: {  	s23 =	simm.s32 $0x10;
	_ =	swait.ge [sflag:s15], $0x4000;
	s20 =	sshrl.u32 s20, $0x3  }
0x2f: {  	s24 =	simm.s32 $0x180;
	[sflag:s15] =	ssyncset.done $0x0;
	s21 =	sadd.s32 s6, s20  }
0x30: {  	s22 =	simm.s32 $0x100;
	[sflag:s15] =	ssyncadd.s32 $0xFFFFC000;
	s25 =	sadd.s32 $0x0, s21  }
.LBB2_4:
0x31: {  	[hbm4b:s25+s3] =	stream.linear.scatter [tilespmem:s22], [sflag:$0x4], $0x40, $0x38;
	[tilespmem:$0x8100] =	vst v63  }
0x32: {  	s25 =	smov.u32 s23;
	s22 =	smov.u32 s24;
	p0 =	sne.s32 s23, $0x3F0  }
.Ltmp5:
0x33: {  	s23 =	sadd.s32 $0x10, s23;
	(pc) =	sbr.rel @p0 .LBB2_4-.Ltmp5, $2  }
0x34: {  	_ =	sdelay $0x2  }
0x35: {  	s24 =	sadd.s32 $0x80, s24;
	s25 =	sadd.s32 s25, s21  }
0x36: {  	[hbm4b:s25+s3] =	stream.linear.scatter [tilespmem:s22], [sflag:$0x4], $0x40, $0x38;
	[tilespmem:$0x8100] =	vst v63  }
0x37: {  	_ =	swait.ge [sflag:s16], $0x1000  }
0x38: {  	s20 =	sadd.s32 s20, s10;
	[sflag:s16] =	ssyncset.done $0x0  }
0x39: {  	s21 =	simm.s32 $0x0;
	s22 =	simm.s32 $0x2100;
	[sflag:s16] =	ssyncadd.s32 $0xFFFFF000  }
.LBB2_6:
0x3a: {  	p0 =	seq.s32 s21, $0x3F0  }
.Ltmp6:
0x3b: {  	_ = 	snop;
	(pc) =	sbr.rel @!p0 .LBB2_6-.Ltmp6, $4  }
0x3c: {  	_ = 	snop  }
0x3d: {  	s23 =	sadd.s32 s21, s20  }
0x3e: {  	[hbm4b:s23+s3] =	stream.linear.scatter [tilespmem:s22], [sflag:$0x4], $0x40, $0x38;
	[tilespmem:$0x8100] =	vst v63  }
0x3f: {  	s21 =	sadd.s32 $0x10, s21;
	s22 =	sadd.s32 $0x80, s22  }
.Ltmp7:
0x40: {  	(pc) =	sbr.rel .LBB2_13-.Ltmp7, $2  }
0x41: {  	_ =	sdelay $0x2  }
0x42: {  	s20 =	simm.s32 $0x4  }
.LBB2_8:
0x43: {  	s20 =	sadd.s32 s19, s8  }
0x44: {  	s20 =	sshll.u32 s20, $0x4  }
0x45: {  	s20 =	sand.u32 $0x1FFFFFF0, s20  }
0x46: {  	s21 =	simm.s32 $0x0;
	s20 =	sadd.s32 s2, s20  }
0x47: {  	[tilespmem:s21], [sflag:$0x4] =	stream.linear.gather [hbm4b:s20+s21], $0x80, $0x38;
	[tilespmem:$0x8100] =	vst v63  }
0x48: {  	_ =	swait.ge [sflag:s16], $0x80  }
0x49: {  	s31 =	sshll.u32 s19, $0xD;
	[sflag:s16] =	ssyncset.done $0x0  }
0x4a: {  	s20 =	sadd.s32 s9, s31;
	[sflag:s16] =	ssyncadd.s32 $0xFFFFFF80  }
0x4b: {  	[tilespmem:s14], [sflag:$0x1] =	stream.indirect.gather [hbm4b:s5+s13], $0x80, s21, s13, $0xb8;
	[tilespmem:$0x8100] =	vst v63  }
0x4c: {  	s22 =	simm.s32 $0x4100;
	s20 =	sshrl.u32 s20, $0x3;
	_ =	swait.ge [sflag:s17], $0x4000  }
0x4d: {  	s23 =	simm.s32 $0x10;
	s21 =	sadd.s32 s6, s20;
	[sflag:s17] =	ssyncset.done $0x0  }
0x4e: {  	s24 =	simm.s32 $0x4180;
	s25 =	sadd.s32 $0x0, s21;
	[sflag:s17] =	ssyncadd.s32 $0xFFFFC000  }
.LBB2_9:
0x4f: {  	[hbm4b:s25+s3] =	stream.linear.scatter [tilespmem:s22], [sflag:$0x4], $0x40, $0x38;
	[tilespmem:$0x8100] =	vst v63  }
0x50: {  	s25 =	smov.u32 s23;
	s22 =	smov.u32 s24;
	p0 =	sne.s32 s23, $0x3F0  }
.Ltmp8:
0x51: {  	s23 =	sadd.s32 $0x10, s23;
	(pc) =	sbr.rel @p0 .LBB2_9-.Ltmp8, $2  }
0x52: {  	_ =	sdelay $0x2  }
0x53: {  	s24 =	sadd.s32 $0x80, s24;
	s25 =	sadd.s32 s25, s21  }
0x54: {  	[hbm4b:s25+s3] =	stream.linear.scatter [tilespmem:s22], [sflag:$0x4], $0x40, $0x38;
	[tilespmem:$0x8100] =	vst v63  }
0x55: {  	_ =	swait.ge [sflag:s16], $0x1000  }
0x56: {  	s20 =	sadd.s32 s20, s10;
	[sflag:s16] =	ssyncset.done $0x0  }
0x57: {  	s21 =	simm.s32 $0x0;
	s22 =	simm.s32 $0x6100;
	[sflag:s16] =	ssyncadd.s32 $0xFFFFF000  }
.LBB2_11:
0x58: {  	p0 =	sne.s32 s21, $0x3F0  }
.Ltmp9:
0x59: {  	_ = 	snop;
	(pc) =	sbr.rel @p0 .LBB2_11-.Ltmp9, $4  }
0x5a: {  	_ = 	snop  }
0x5b: {  	s23 =	sadd.s32 s21, s20  }
0x5c: {  	[hbm4b:s23+s3] =	stream.linear.scatter [tilespmem:s22], [sflag:$0x3], $0x40, $0x38;
	[tilespmem:$0x8100] =	vst v63  }
0x5d: {  	s21 =	sadd.s32 $0x10, s21;
	s22 =	sadd.s32 $0x80, s22  }
.Ltmp10:
0x5e: {  	(pc) =	sbr.rel .LBB2_13-.Ltmp10, $2  }
0x5f: {  	_ =	sdelay $0x2  }
0x60: {  	s20 =	simm.s32 $0x3  }
.LBB2_15:
0x61: {  	_ =	sfence.sel $0x180000  }
0x62: {  	[bflag:$0x0] =	sbarrier.arrive $0xFFFF  }
0x63: {  	p0 =	sne.s32 s0, $0x0;
	_ =	strace $0x9000004A  }
0x64: {  	s0 =	sadd.s32 @!p0 $0x100000, s1;
	[bflag:$0x2] =	sbarrier.arrive $0xFFFF  }
0x65: {  	[sflag:s0] =	ssyncadd.tile.s32 @!p0 $0x1;
	_ =	shalt  }
.Lfunc_end2:
_tile_overlayer_lowered:
.L_overlay_start_2:
0x66: {  	(tag) =	ssettag $0x2  }
0x67: {  	s0 =	rddreg [dreg:$0x0];
	s2 =	stileid.u32  }
0x68: {  	s1 =	rddreg [dreg:$0x1];
	p0 =	sne.s32 s2, $0x0  }
0x69: {  	s3 =	rddreg [dreg:$0x2];
	[bflag:$0x3] =	sbarrier.arrive $0xFFFF;
	s2 =	simm.s32 @!p0 $0x1C03  }
0x6a: {  	[timem:s3], [sflag:s2] =	dma.local @!p0 [hbm:s0], s1  }
0x6b: {  	s0 =	simm.s32 @!p0 $0x3  }
0x6c: {  	_ =	swait.ge @!p0 [sflag:s0], s1  }
0x6d: {  	s1 =	ssub.s32 @!p0 $0x0, s1;
	[sflag:s0] =	ssyncset.done @!p0 $0x0  }
0x6e: {  	[sflag:s0] =	ssyncadd.s32 @!p0 s1  }
0x6f: {  	[bflag:$0x3] =	sbarrier.arrive $0xFFFF  }
0x70: {  	_ =	shalt  }

</sc_bundles>
